<compile_context>
chip_gen: v7x
topology: tpu7x:2x2x1
jax: 0.10.2.dev20260603
libtpu: 0.0.44.dev20260713+nightly
codegen_flags: <defaults>
</compile_context>

<pallas_src>
import jax
import jax.numpy as jnp
from jax import lax
from jax.experimental import pallas as pl
from jax.experimental.pallas import tpu as pltpu
from jax.experimental.pallas import tpu_sc as plsc

N = 32
Q = 900
C = 91
L = 16
NUM_CORES = 2
NUM_SUBCORES = 16
NGROUPS = (Q + L - 1) // L
QPAD = NGROUPS * L


TC_BLK = 16


def _tc_reduce(logits_ref, m_ref, a_ref):
    for i in range(TC_BLK):
        xt = logits_ref[i][:, :C].T
        m = jnp.max(xt, axis=0)
        ri = lax.broadcasted_iota(jnp.int32, (C, Q), 0)
        cand = jnp.where(xt == m[None, :], ri, C)
        a = jnp.min(cand, axis=0)
        m_ref[i, 0] = m
        a_ref[i, 0] = a.astype(jnp.float32)


def _sc_assemble(m_hbm, a_hbm, boxes_hbm, sizes_hbm, out_hbm,
                 m_v, a_v, box_v, out_v, size_v):
    c = lax.axis_index("c")
    s = lax.axis_index("s")
    t = s * NUM_CORES + c

    pltpu.sync_copy(m_hbm.at[t, 0], m_v.at[pl.ds(0, Q)])
    pltpu.sync_copy(a_hbm.at[t, 0], a_v.at[pl.ds(0, Q)])
    pltpu.sync_copy(boxes_hbm.at[t], box_v)
    pltpu.sync_copy(sizes_hbm, size_v)

    lane = lax.iota(jnp.int32, 16)
    wvec = size_v[pl.ds(0, L)]
    hvec = size_v[pl.ds(L, L)]
    zero_f = jnp.zeros((L,), jnp.float32)

    def group_body(g, carry):
        rows = jnp.minimum(lane + g * L, Q - 1)

        m = plsc.load_gather(m_v, [rows])
        am = plsc.load_gather(a_v, [rows])

        sig = 1.0 / (1.0 + jnp.exp(-m))
        valid = sig >= jnp.float32(0.5)

        bidx = rows * 4
        cx = plsc.load_gather(box_v, [bidx])
        cy = plsc.load_gather(box_v, [bidx + 1])
        bw = plsc.load_gather(box_v, [bidx + 2])
        bh = plsc.load_gather(box_v, [bidx + 3])
        x = (cx - bw * 0.5) * wvec
        y = (cy - bh * 0.5) * hvec
        sw = bw * wvec
        sh = bh * hvec

        oidx = rows * 6
        plsc.store_scatter(out_v, [oidx], jnp.where(valid, am, zero_f))
        plsc.store_scatter(out_v, [oidx + 1], jnp.where(valid, sig, zero_f))
        plsc.store_scatter(out_v, [oidx + 2], jnp.where(valid, x, zero_f))
        plsc.store_scatter(out_v, [oidx + 3], jnp.where(valid, y, zero_f))
        plsc.store_scatter(out_v, [oidx + 4], jnp.where(valid, sw, zero_f))
        plsc.store_scatter(out_v, [oidx + 5], jnp.where(valid, sh, zero_f))
        return carry

    lax.fori_loop(0, NGROUPS, group_body, 0)
    pltpu.sync_copy(out_v, out_hbm.at[t])


def kernel(logits, boxes, original_sizes):
    m_all, a_all = pl.pallas_call(
        _tc_reduce,
        grid=(N // TC_BLK,),
        in_specs=[pl.BlockSpec((TC_BLK, Q, C), lambda i: (i, 0, 0))],
        out_specs=[
            pl.BlockSpec((TC_BLK, 1, Q), lambda i: (i, 0, 0)),
            pl.BlockSpec((TC_BLK, 1, Q), lambda i: (i, 0, 0)),
        ],
        out_shape=[
            jax.ShapeDtypeStruct((N, 1, Q), jnp.float32),
            jax.ShapeDtypeStruct((N, 1, Q), jnp.float32),
        ],
    )(logits)

    sizes_f = original_sizes.astype(jnp.float32)
    svec = jnp.repeat(sizes_f, L)
    mesh = plsc.VectorSubcoreMesh(
        core_axis_name="c", subcore_axis_name="s",
        num_cores=NUM_CORES, num_subcores=NUM_SUBCORES,
    )
    out = pl.kernel(
        _sc_assemble,
        out_type=jax.ShapeDtypeStruct((N, Q * 6), jnp.float32),
        mesh=mesh,
        compiler_params=pltpu.CompilerParams(needs_layout_passes=False),
        scratch_types=[
            pltpu.VMEM((QPAD,), jnp.float32),
            pltpu.VMEM((QPAD,), jnp.float32),
            pltpu.VMEM((Q * 4,), jnp.float32),
            pltpu.VMEM((Q * 6,), jnp.float32),
            pltpu.VMEM((2 * L,), jnp.float32),
        ],
    )(m_all, a_all, boxes.reshape(N, Q * 4), svec)
    return out.reshape(N, Q, 6)

# --- scband reference (transcript-rebuilt; emitter-appended) ---
"""Pipeline reference for scband-detrpost-processor-55327768707561 (READ-ONLY COPY).

The authoritative reference and input builder live on the scoring server;
editing this copy changes nothing except your own understanding.
"""

import jax, jax.numpy as jnp
import numpy as np

CONFIDENCE_THRESHOLD = 0.5


def setup_inputs(seed: int = 0) -> dict:
    key = jax.random.key(seed)
    k1, k2, k3 = jax.random.split(key, 3)
    logits = jax.random.normal(k1, (32, 900, 91), dtype=jnp.float32)
    boxes = jax.random.uniform(k2, (32, 900, 4), dtype=jnp.float32)
    original_sizes = jax.random.randint(k3, (2,), 0, 1333, dtype=jnp.int32)
    return {"logits": logits, "boxes": boxes, "original_sizes": original_sizes}


def reference(logits, boxes, original_sizes):
    # boxes are (cx, cy, w, h) normalized; convert to (x, y, w, h)
    cxcy = boxes[..., :2]
    wh = boxes[..., 2:]
    boxes_xy = jnp.concatenate([cxcy - wh * 0.5, wh], axis=-1)
    # sizes_wh = [w, h] repeated twice -> [w, h, w, h], broadcast over (N, Q)
    W = original_sizes[0].astype(jnp.float32)
    H = original_sizes[1].astype(jnp.float32)
    sizes_wh = jnp.stack([W, H, W, H])[None, None, :]
    boxes_xy = boxes_xy * sizes_wh
    scores_all = jax.nn.sigmoid(logits)
    scores = jnp.max(scores_all, axis=-1)
    labels = jnp.argmax(scores_all, axis=-1)
    mask = scores >= CONFIDENCE_THRESHOLD
    # Torch version returns a ragged list of (D_i, 6) per image. In JAX we return the
    # dense padded equivalent: (N, Q, 6) with rows failing the confidence threshold
    # zeroed out; columns are (class_id, confidence, x, y, w, h).
    det = jnp.concatenate(
        [labels[..., None].astype(jnp.float32), scores[..., None], boxes_xy], axis=-1
    )
    det = det * mask[..., None].astype(det.dtype)
    return det

if __name__ == "__main__":
    import jax
    _d = setup_inputs()
    print(jax.jit(kernel)(*tuple(_d.values())))

</pallas_src>

<mosaic_0001>
#map = affine_map<(d0, d1) -> (0, 0, 0)>
#map1 = affine_map<(d0, d1) -> (0, 0)>
#map2 = affine_map<(d0, d1) -> (0)>
module attributes {stable_mosaic.version = 14 : i64} {
  func.func @_sc_assemble(%arg0: i32, %arg1: i32, %arg2: memref<32x1x900xf32, #tpu.memory_space<hbm>>, %arg3: memref<32x1x900xf32, #tpu.memory_space<hbm>>, %arg4: memref<32x3600xf32, #tpu.memory_space<hbm>>, %arg5: memref<32xf32, #tpu.memory_space<hbm>>, %arg6: memref<32x5400xf32, #tpu.memory_space<hbm>>, %arg7: memref<912xf32, #tpu.memory_space<vmem>>, %arg8: memref<912xf32, #tpu.memory_space<vmem>>, %arg9: memref<3600xf32, #tpu.memory_space<vmem>>, %arg10: memref<5400xf32, #tpu.memory_space<vmem>>, %arg11: memref<32xf32, #tpu.memory_space<vmem>>) attributes {dimension_semantics = [#tpu.dimension_semantics<core_parallel>, #tpu.dimension_semantics<subcore_parallel>], iteration_bounds = array<i64: 2, 16>, scalar_prefetch = 0 : i64, scratch_operands = 5 : i64, tpu.core_type = #tpu.core_type<sc_vector_subcore>, window_params = [{transform_indices = #map}, {transform_indices = #map}, {transform_indices = #map1}, {transform_indices = #map2}, {transform_indices = #map1}]} {
    %mul3A = arith.constant 2 : i32
    %mul3A_0 = arith.muli %arg1, %mul3A : i32
    %add3A = arith.addi %mul3A_0, %arg0 : i32
    %run_scoped3A = arith.constant 0 : i32
    "tpu.region"() ({
      %run_scoped3A_11 = tpu.sem_alloc : memref<!tpu.dma_semaphore, #tpu.memory_space<semaphore_mem>>
      %dma_start3A = arith.constant 0 : i32
      %dma_start3A_12 = tpu.memref_slice %arg7[%dma_start3A] : memref<912xf32, #tpu.memory_space<vmem>> -> memref<900xf32, #tpu.memory_space<vmem>>
      %dma_start3A_13 = arith.constant 0 : i32
      %dma_start3A_14 = tpu.memref_slice %arg2[%add3A, %run_scoped3A, %dma_start3A_13] : memref<32x1x900xf32, #tpu.memory_space<hbm>> -> memref<1x1x900xf32, #tpu.memory_space<hbm>>
      %dma_start3A_15 = tpu.memref_squeeze %dma_start3A_14 : memref<1x1x900xf32, #tpu.memory_space<hbm>> -> memref<900xf32, #tpu.memory_space<hbm>>
      %dma_start3A_16 = arith.constant 0 : i32
      %dma_start3A_17 = tpu.memref_slice %arg7[%dma_start3A_16] : memref<912xf32, #tpu.memory_space<vmem>> -> memref<900xf32, #tpu.memory_space<vmem>>
      %dma_start3A_18 = arith.constant 0 : i32
      %dma_start3A_19 = tpu.memref_slice %arg2[%add3A, %run_scoped3A, %dma_start3A_18] : memref<32x1x900xf32, #tpu.memory_space<hbm>> -> memref<1x1x900xf32, #tpu.memory_space<hbm>>
      %dma_start3A_20 = tpu.memref_squeeze %dma_start3A_19 : memref<1x1x900xf32, #tpu.memory_space<hbm>> -> memref<900xf32, #tpu.memory_space<hbm>>
      tpu.enqueue_dma source(%dma_start3A_20 : memref<900xf32, #tpu.memory_space<hbm>>) target(%dma_start3A_17 : memref<900xf32, #tpu.memory_space<vmem>>) target_semaphore(%run_scoped3A_11 : memref<!tpu.dma_semaphore, #tpu.memory_space<semaphore_mem>>)
      %dma_wait3A = arith.constant 0 : i32
      %dma_wait3A_21 = tpu.memref_slice %arg7[%dma_wait3A] : memref<912xf32, #tpu.memory_space<vmem>> -> memref<900xf32, #tpu.memory_space<vmem>>
      %dma_wait3A_22 = arith.constant 0 : i32
      %dma_wait3A_23 = tpu.memref_slice %arg2[%add3A, %run_scoped3A, %dma_wait3A_22] : memref<32x1x900xf32, #tpu.memory_space<hbm>> -> memref<1x1x900xf32, #tpu.memory_space<hbm>>
      %dma_wait3A_24 = tpu.memref_squeeze %dma_wait3A_23 : memref<1x1x900xf32, #tpu.memory_space<hbm>> -> memref<900xf32, #tpu.memory_space<hbm>>
      %dma_wait3A_25 = arith.constant 0 : i32
      %dma_wait3A_26 = tpu.memref_slice %arg7[%dma_wait3A_25] : memref<912xf32, #tpu.memory_space<vmem>> -> memref<900xf32, #tpu.memory_space<vmem>>
      %dma_wait3A_27 = arith.constant 0 : i32
      %dma_wait3A_28 = tpu.memref_slice %arg2[%add3A, %run_scoped3A, %dma_wait3A_27] : memref<32x1x900xf32, #tpu.memory_space<hbm>> -> memref<1x1x900xf32, #tpu.memory_space<hbm>>
      %dma_wait3A_29 = tpu.memref_squeeze %dma_wait3A_28 : memref<1x1x900xf32, #tpu.memory_space<hbm>> -> memref<900xf32, #tpu.memory_space<hbm>>
      tpu.wait_dma2 semaphore(%run_scoped3A_11 : memref<!tpu.dma_semaphore, #tpu.memory_space<semaphore_mem>>) src(%dma_wait3A_29 : memref<900xf32, #tpu.memory_space<hbm>>) dst(%dma_wait3A_26 : memref<900xf32, #tpu.memory_space<vmem>>)
      tpu.yield
    }) : () -> ()
    %run_scoped3A_1 = arith.constant 0 : i32
    "tpu.region"() ({
      %run_scoped3A_11 = tpu.sem_alloc : memref<!tpu.dma_semaphore, #tpu.memory_space<semaphore_mem>>
      %dma_start3A = arith.constant 0 : i32
      %dma_start3A_12 = tpu.memref_slice %arg8[%dma_start3A] : memref<912xf32, #tpu.memory_space<vmem>> -> memref<900xf32, #tpu.memory_space<vmem>>
      %dma_start3A_13 = arith.constant 0 : i32
      %dma_start3A_14 = tpu.memref_slice %arg3[%add3A, %run_scoped3A_1, %dma_start3A_13] : memref<32x1x900xf32, #tpu.memory_space<hbm>> -> memref<1x1x900xf32, #tpu.memory_space<hbm>>
      %dma_start3A_15 = tpu.memref_squeeze %dma_start3A_14 : memref<1x1x900xf32, #tpu.memory_space<hbm>> -> memref<900xf32, #tpu.memory_space<hbm>>
      %dma_start3A_16 = arith.constant 0 : i32
      %dma_start3A_17 = tpu.memref_slice %arg8[%dma_start3A_16] : memref<912xf32, #tpu.memory_space<vmem>> -> memref<900xf32, #tpu.memory_space<vmem>>
      %dma_start3A_18 = arith.constant 0 : i32
      %dma_start3A_19 = tpu.memref_slice %arg3[%add3A, %run_scoped3A_1, %dma_start3A_18] : memref<32x1x900xf32, #tpu.memory_space<hbm>> -> memref<1x1x900xf32, #tpu.memory_space<hbm>>
      %dma_start3A_20 = tpu.memref_squeeze %dma_start3A_19 : memref<1x1x900xf32, #tpu.memory_space<hbm>> -> memref<900xf32, #tpu.memory_space<hbm>>
      tpu.enqueue_dma source(%dma_start3A_20 : memref<900xf32, #tpu.memory_space<hbm>>) target(%dma_start3A_17 : memref<900xf32, #tpu.memory_space<vmem>>) target_semaphore(%run_scoped3A_11 : memref<!tpu.dma_semaphore, #tpu.memory_space<semaphore_mem>>)
      %dma_wait3A = arith.constant 0 : i32
      %dma_wait3A_21 = tpu.memref_slice %arg8[%dma_wait3A] : memref<912xf32, #tpu.memory_space<vmem>> -> memref<900xf32, #tpu.memory_space<vmem>>
      %dma_wait3A_22 = arith.constant 0 : i32
      %dma_wait3A_23 = tpu.memref_slice %arg3[%add3A, %run_scoped3A_1, %dma_wait3A_22] : memref<32x1x900xf32, #tpu.memory_space<hbm>> -> memref<1x1x900xf32, #tpu.memory_space<hbm>>
      %dma_wait3A_24 = tpu.memref_squeeze %dma_wait3A_23 : memref<1x1x900xf32, #tpu.memory_space<hbm>> -> memref<900xf32, #tpu.memory_space<hbm>>
      %dma_wait3A_25 = arith.constant 0 : i32
      %dma_wait3A_26 = tpu.memref_slice %arg8[%dma_wait3A_25] : memref<912xf32, #tpu.memory_space<vmem>> -> memref<900xf32, #tpu.memory_space<vmem>>
      %dma_wait3A_27 = arith.constant 0 : i32
      %dma_wait3A_28 = tpu.memref_slice %arg3[%add3A, %run_scoped3A_1, %dma_wait3A_27] : memref<32x1x900xf32, #tpu.memory_space<hbm>> -> memref<1x1x900xf32, #tpu.memory_space<hbm>>
      %dma_wait3A_29 = tpu.memref_squeeze %dma_wait3A_28 : memref<1x1x900xf32, #tpu.memory_space<hbm>> -> memref<900xf32, #tpu.memory_space<hbm>>
      tpu.wait_dma2 semaphore(%run_scoped3A_11 : memref<!tpu.dma_semaphore, #tpu.memory_space<semaphore_mem>>) src(%dma_wait3A_29 : memref<900xf32, #tpu.memory_space<hbm>>) dst(%dma_wait3A_26 : memref<900xf32, #tpu.memory_space<vmem>>)
      tpu.yield
    }) : () -> ()
    "tpu.region"() ({
      %run_scoped3A_11 = tpu.sem_alloc : memref<!tpu.dma_semaphore, #tpu.memory_space<semaphore_mem>>
      %dma_start3A = arith.constant 0 : i32
      %dma_start3A_12 = tpu.memref_slice %arg4[%add3A, %dma_start3A] : memref<32x3600xf32, #tpu.memory_space<hbm>> -> memref<1x3600xf32, #tpu.memory_space<hbm>>
      %dma_start3A_13 = tpu.memref_squeeze %dma_start3A_12 : memref<1x3600xf32, #tpu.memory_space<hbm>> -> memref<3600xf32, #tpu.memory_space<hbm>>
      %dma_start3A_14 = arith.constant 0 : i32
      %dma_start3A_15 = tpu.memref_slice %arg4[%add3A, %dma_start3A_14] : memref<32x3600xf32, #tpu.memory_space<hbm>> -> memref<1x3600xf32, #tpu.memory_space<hbm>>
      %dma_start3A_16 = tpu.memref_squeeze %dma_start3A_15 : memref<1x3600xf32, #tpu.memory_space<hbm>> -> memref<3600xf32, #tpu.memory_space<hbm>>
      tpu.enqueue_dma source(%dma_start3A_16 : memref<3600xf32, #tpu.memory_space<hbm>>) target(%arg9 : memref<3600xf32, #tpu.memory_space<vmem>>) target_semaphore(%run_scoped3A_11 : memref<!tpu.dma_semaphore, #tpu.memory_space<semaphore_mem>>)
      %dma_wait3A = arith.constant 0 : i32
      %dma_wait3A_17 = tpu.memref_slice %arg4[%add3A, %dma_wait3A] : memref<32x3600xf32, #tpu.memory_space<hbm>> -> memref<1x3600xf32, #tpu.memory_space<hbm>>
      %dma_wait3A_18 = tpu.memref_squeeze %dma_wait3A_17 : memref<1x3600xf32, #tpu.memory_space<hbm>> -> memref<3600xf32, #tpu.memory_space<hbm>>
      %dma_wait3A_19 = arith.constant 0 : i32
      %dma_wait3A_20 = tpu.memref_slice %arg4[%add3A, %dma_wait3A_19] : memref<32x3600xf32, #tpu.memory_space<hbm>> -> memref<1x3600xf32, #tpu.memory_space<hbm>>
      %dma_wait3A_21 = tpu.memref_squeeze %dma_wait3A_20 : memref<1x3600xf32, #tpu.memory_space<hbm>> -> memref<3600xf32, #tpu.memory_space<hbm>>
      tpu.wait_dma2 semaphore(%run_scoped3A_11 : memref<!tpu.dma_semaphore, #tpu.memory_space<semaphore_mem>>) src(%dma_wait3A_21 : memref<3600xf32, #tpu.memory_space<hbm>>) dst(%arg9 : memref<3600xf32, #tpu.memory_space<vmem>>)
      tpu.yield
    }) : () -> ()
    "tpu.region"() ({
      %run_scoped3A_11 = tpu.sem_alloc : memref<!tpu.dma_semaphore, #tpu.memory_space<semaphore_mem>>
      tpu.enqueue_dma source(%arg5 : memref<32xf32, #tpu.memory_space<hbm>>) target(%arg11 : memref<32xf32, #tpu.memory_space<vmem>>) target_semaphore(%run_scoped3A_11 : memref<!tpu.dma_semaphore, #tpu.memory_space<semaphore_mem>>)
      tpu.wait_dma2 semaphore(%run_scoped3A_11 : memref<!tpu.dma_semaphore, #tpu.memory_space<semaphore_mem>>) src(%arg5 : memref<32xf32, #tpu.memory_space<hbm>>) dst(%arg11 : memref<32xf32, #tpu.memory_space<vmem>>)
      tpu.yield
    }) : () -> ()
    %iota3A = tpu.iota {dimensions = array<i32: 0>} : vector<16xi32>
    %get3A = arith.constant 0 : index
    %get3A_2 = tpu.vector_load %arg11[%get3A] {strides = array<i32>} : memref<32xf32, #tpu.memory_space<vmem>>, vector<16xf32>,
    %get3A_3 = arith.constant 16 : index
    %get3A_4 = tpu.vector_load %arg11[%get3A_3] {strides = array<i32>} : memref<32xf32, #tpu.memory_space<vmem>>, vector<16xf32>,
    %broadcast_in_dim3A = arith.constant 0.000000e+00 : f32
    %broadcast_in_dim3A_5 = vector.broadcast %broadcast_in_dim3A : f32 to vector<16xf32>
    %scan3A = arith.constant 0 : i32
    %scan3A_6 = arith.constant 0 : i32
    %scan3A_7 = arith.constant 57 : i32
    %scan3A_8 = arith.addi %scan3A_6, %scan3A_7 : i32
    %scan3A_9 = arith.constant 1 : i32
    scf.for %scan3A_11 = %scan3A_6 to %scan3A_8 step %scan3A_9  : i32 {
      %mul3A_12 = arith.constant 16 : i32
      %mul3A_13 = arith.muli %scan3A_11, %mul3A_12 : i32
      %add3A_14 = vector.broadcast %mul3A_13 : i32 to vector<16xi32>
      %add3A_15 = arith.addi %iota3A, %add3A_14 : vector<16xi32>
      %min3A = arith.constant 899 : i32
      %min3A_16 = vector.broadcast %min3A : i32 to vector<16xi32>
      %min3A_17 = arith.minsi %add3A_15, %min3A_16 : vector<16xi32>
      %gather3A = tpu.vector_load_idx %arg7[%min3A_17] : memref<912xf32, #tpu.memory_space<vmem>>[vector<16xi32>], vector<16xf32>,
      %gather3A_18 = tpu.vector_load_idx %arg8[%min3A_17] : memref<912xf32, #tpu.memory_space<vmem>>[vector<16xi32>], vector<16xf32>,
      %neg3A = arith.constant 0.000000e+00 : f32
      %neg3A_19 = vector.broadcast %neg3A : f32 to vector<16xf32>
      %neg3A_20 = arith.subf %neg3A_19, %gather3A : vector<16xf32>
      %exp3A = math.exp %neg3A_20 : vector<16xf32>
      %add3A_21 = arith.constant 1.000000e+00 : f32
      %add3A_22 = vector.broadcast %add3A_21 : f32 to vector<16xf32>
      %add3A_23 = arith.addf %add3A_22, %exp3A : vector<16xf32>
      %div3A = arith.constant 1.000000e+00 : f32
      %div3A_24 = vector.broadcast %div3A : f32 to vector<16xf32>
      %div3A_25 = arith.divf %div3A_24, %add3A_23 : vector<16xf32>
      %ge3A = arith.constant 5.000000e-01 : f32
      %ge3A_26 = vector.broadcast %ge3A : f32 to vector<16xf32>
      %ge3A_27 = arith.cmpf oge, %div3A_25, %ge3A_26 : vector<16xf32>
      %mul3A_28 = arith.constant 4 : i32
      %mul3A_29 = vector.broadcast %mul3A_28 : i32 to vector<16xi32>
      %mul3A_30 = arith.muli %min3A_17, %mul3A_29 : vector<16xi32>
      %gather3A_31 = tpu.vector_load_idx %arg9[%mul3A_30] : memref<3600xf32, #tpu.memory_space<vmem>>[vector<16xi32>], vector<16xf32>,
      %add3A_32 = arith.constant 1 : i32
      %add3A_33 = vector.broadcast %add3A_32 : i32 to vector<16xi32>
      %add3A_34 = arith.addi %mul3A_30, %add3A_33 : vector<16xi32>
      %gather3A_35 = tpu.vector_load_idx %arg9[%add3A_34] : memref<3600xf32, #tpu.memory_space<vmem>>[vector<16xi32>], vector<16xf32>,
      %add3A_36 = arith.constant 2 : i32
      %add3A_37 = vector.broadcast %add3A_36 : i32 to vector<16xi32>
      %add3A_38 = arith.addi %mul3A_30, %add3A_37 : vector<16xi32>
      %gather3A_39 = tpu.vector_load_idx %arg9[%add3A_38] : memref<3600xf32, #tpu.memory_space<vmem>>[vector<16xi32>], vector<16xf32>,
      %add3A_40 = arith.constant 3 : i32
      %add3A_41 = vector.broadcast %add3A_40 : i32 to vector<16xi32>
      %add3A_42 = arith.addi %mul3A_30, %add3A_41 : vector<16xi32>
      %gather3A_43 = tpu.vector_load_idx %arg9[%add3A_42] : memref<3600xf32, #tpu.memory_space<vmem>>[vector<16xi32>], vector<16xf32>,
      %mul3A_44 = arith.constant 5.000000e-01 : f32
      %mul3A_45 = vector.broadcast %mul3A_44 : f32 to vector<16xf32>
      %mul3A_46 = arith.mulf %gather3A_39, %mul3A_45 : vector<16xf32>
      %sub3A = arith.subf %gather3A_31, %mul3A_46 : vector<16xf32>
      %mul3A_47 = arith.mulf %sub3A, %get3A_2 : vector<16xf32>
      %mul3A_48 = arith.constant 5.000000e-01 : f32
      %mul3A_49 = vector.broadcast %mul3A_48 : f32 to vector<16xf32>
      %mul3A_50 = arith.mulf %gather3A_43, %mul3A_49 : vector<16xf32>
      %sub3A_51 = arith.subf %gather3A_35, %mul3A_50 : vector<16xf32>
      %mul3A_52 = arith.mulf %sub3A_51, %get3A_4 : vector<16xf32>
      %mul3A_53 = arith.mulf %gather3A_39, %get3A_2 : vector<16xf32>
      %mul3A_54 = arith.mulf %gather3A_43, %get3A_4 : vector<16xf32>
      %mul3A_55 = arith.constant 6 : i32
      %mul3A_56 = vector.broadcast %mul3A_55 : i32 to vector<16xi32>
      %mul3A_57 = arith.muli %min3A_17, %mul3A_56 : vector<16xi32>
      %select_n3A = arith.select %ge3A_27, %gather3A_18, %broadcast_in_dim3A_5 : vector<16xi1>, vector<16xf32>
      tpu.vector_store_idx %arg10[%mul3A_57], %select_n3A : memref<5400xf32, #tpu.memory_space<vmem>>[vector<16xi32>], vector<16xf32>,
      %add3A_58 = arith.constant 1 : i32
      %add3A_59 = vector.broadcast %add3A_58 : i32 to vector<16xi32>
      %add3A_60 = arith.addi %mul3A_57, %add3A_59 : vector<16xi32>
      %select_n3A_61 = arith.select %ge3A_27, %div3A_25, %broadcast_in_dim3A_5 : vector<16xi1>, vector<16xf32>
      tpu.vector_store_idx %arg10[%add3A_60], %select_n3A_61 : memref<5400xf32, #tpu.memory_space<vmem>>[vector<16xi32>], vector<16xf32>,
      %add3A_62 = arith.constant 2 : i32
      %add3A_63 = vector.broadcast %add3A_62 : i32 to vector<16xi32>
      %add3A_64 = arith.addi %mul3A_57, %add3A_63 : vector<16xi32>
      %select_n3A_65 = arith.select %ge3A_27, %mul3A_47, %broadcast_in_dim3A_5 : vector<16xi1>, vector<16xf32>
      tpu.vector_store_idx %arg10[%add3A_64], %select_n3A_65 : memref<5400xf32, #tpu.memory_space<vmem>>[vector<16xi32>], vector<16xf32>,
      %add3A_66 = arith.constant 3 : i32
      %add3A_67 = vector.broadcast %add3A_66 : i32 to vector<16xi32>
      %add3A_68 = arith.addi %mul3A_57, %add3A_67 : vector<16xi32>
      %select_n3A_69 = arith.select %ge3A_27, %mul3A_52, %broadcast_in_dim3A_5 : vector<16xi1>, vector<16xf32>
      tpu.vector_store_idx %arg10[%add3A_68], %select_n3A_69 : memref<5400xf32, #tpu.memory_space<vmem>>[vector<16xi32>], vector<16xf32>,
      %add3A_70 = arith.constant 4 : i32
      %add3A_71 = vector.broadcast %add3A_70 : i32 to vector<16xi32>
      %add3A_72 = arith.addi %mul3A_57, %add3A_71 : vector<16xi32>
      %select_n3A_73 = arith.select %ge3A_27, %mul3A_53, %broadcast_in_dim3A_5 : vector<16xi1>, vector<16xf32>
      tpu.vector_store_idx %arg10[%add3A_72], %select_n3A_73 : memref<5400xf32, #tpu.memory_space<vmem>>[vector<16xi32>], vector<16xf32>,
      %add3A_74 = arith.constant 5 : i32
      %add3A_75 = vector.broadcast %add3A_74 : i32 to vector<16xi32>
      %add3A_76 = arith.addi %mul3A_57, %add3A_75 : vector<16xi32>
      %select_n3A_77 = arith.select %ge3A_27, %mul3A_54, %broadcast_in_dim3A_5 : vector<16xi1>, vector<16xf32>
      tpu.vector_store_idx %arg10[%add3A_76], %select_n3A_77 : memref<5400xf32, #tpu.memory_space<vmem>>[vector<16xi32>], vector<16xf32>,
    }
    %scan3A_10 = arith.constant 57 : i32
    "tpu.region"() ({
      %run_scoped3A_11 = tpu.sem_alloc : memref<!tpu.dma_semaphore, #tpu.memory_space<semaphore_mem>>
      %dma_start3A = arith.constant 0 : i32
      %dma_start3A_12 = tpu.memref_slice %arg6[%add3A, %dma_start3A] : memref<32x5400xf32, #tpu.memory_space<hbm>> -> memref<1x5400xf32, #tpu.memory_space<hbm>>
      %dma_start3A_13 = tpu.memref_squeeze %dma_start3A_12 : memref<1x5400xf32, #tpu.memory_space<hbm>> -> memref<5400xf32, #tpu.memory_space<hbm>>
      %dma_start3A_14 = arith.constant 0 : i32
      %dma_start3A_15 = tpu.memref_slice %arg6[%add3A, %dma_start3A_14] : memref<32x5400xf32, #tpu.memory_space<hbm>> -> memref<1x5400xf32, #tpu.memory_space<hbm>>
      %dma_start3A_16 = tpu.memref_squeeze %dma_start3A_15 : memref<1x5400xf32, #tpu.memory_space<hbm>> -> memref<5400xf32, #tpu.memory_space<hbm>>
      tpu.enqueue_dma source(%arg10 : memref<5400xf32, #tpu.memory_space<vmem>>) target(%dma_start3A_16 : memref<5400xf32, #tpu.memory_space<hbm>>) target_semaphore(%run_scoped3A_11 : memref<!tpu.dma_semaphore, #tpu.memory_space<semaphore_mem>>)
      %dma_wait3A = arith.constant 0 : i32
      %dma_wait3A_17 = tpu.memref_slice %arg6[%add3A, %dma_wait3A] : memref<32x5400xf32, #tpu.memory_space<hbm>> -> memref<1x5400xf32, #tpu.memory_space<hbm>>
      %dma_wait3A_18 = tpu.memref_squeeze %dma_wait3A_17 : memref<1x5400xf32, #tpu.memory_space<hbm>> -> memref<5400xf32, #tpu.memory_space<hbm>>
      %dma_wait3A_19 = arith.constant 0 : i32
      %dma_wait3A_20 = tpu.memref_slice %arg6[%add3A, %dma_wait3A_19] : memref<32x5400xf32, #tpu.memory_space<hbm>> -> memref<1x5400xf32, #tpu.memory_space<hbm>>
      %dma_wait3A_21 = tpu.memref_squeeze %dma_wait3A_20 : memref<1x5400xf32, #tpu.memory_space<hbm>> -> memref<5400xf32, #tpu.memory_space<hbm>>
      tpu.wait_dma2 semaphore(%run_scoped3A_11 : memref<!tpu.dma_semaphore, #tpu.memory_space<semaphore_mem>>) src(%arg10 : memref<5400xf32, #tpu.memory_space<vmem>>) dst(%dma_wait3A_21 : memref<5400xf32, #tpu.memory_space<hbm>>)
      tpu.yield
    }) : () -> ()
    return
  }
}

module attributes {stable_mosaic.version = 14 : i64} {
  func.func @_tc_reduce(%arg0: i32, %arg1: memref<16x900x91xf32, #tpu.memory_space<vmem>>, %arg2: memref<16x1x900xf32, #tpu.memory_space<vmem>>, %arg3: memref<16x1x900xf32, #tpu.memory_space<vmem>>) attributes {dimension_semantics = [#tpu.dimension_semantics<arbitrary>], iteration_bounds = array<i64: 2>, scalar_prefetch = 0 : i64, scratch_operands = 0 : i64, tpu.core_type = #tpu.core_type<tc>, window_params = [{transform_indices = @transform_0, window_bounds = array<i64: 16, 900, 91>}, {transform_indices = @transform_1, window_bounds = array<i64: 16, 1, 900>}, {transform_indices = @transform_2, window_bounds = array<i64: 16, 1, 900>}]} {
    %get3A = arith.constant 0 : index
    %get3A_0 = arith.constant 0 : index
    %get3A_1 = arith.constant 0 : index
    %get3A_2 = vector.load %arg1[%get3A, %get3A_0, %get3A_1] : memref<16x900x91xf32, #tpu.memory_space<vmem>>, vector<1x900x91xf32>
    %get3A_3 = vector.shape_cast %get3A_2 : vector<1x900x91xf32> to vector<900x91xf32>
    %transpose3A = tpu.transpose %get3A_3, [1, 0] : vector<900x91xf32> -> vector<91x900xf32>
    %reduce_max3A = arith.constant dense<0xFF800000> : vector<900xf32>
    %reduce_max3A_4 = vector.multi_reduction <maximumf>, %transpose3A, %reduce_max3A [0] : vector<91x900xf32> to vector<900xf32>
    %iota3A = tpu.iota {dimensions = array<i32: 0>} : vector<91x900xi32>
    %broadcast_in_dim3A = vector.shape_cast %reduce_max3A_4 : vector<900xf32> to vector<1x900xf32>
    %eq3A = vector.broadcast %broadcast_in_dim3A : vector<1x900xf32> to vector<91x900xf32>
    %eq3A_5 = arith.cmpf oeq, %transpose3A, %eq3A : vector<91x900xf32>
    %jit3A = arith.constant 91 : i32
    %broadcast_in_dim3A_6 = vector.broadcast %jit3A : i32 to vector<91x900xi32>
    %select_n3A = arith.select %eq3A_5, %iota3A, %broadcast_in_dim3A_6 : vector<91x900xi1>, vector<91x900xi32>
    %reduce_min3A = arith.constant dense<2147483647> : vector<900xi32>
    %reduce_min3A_7 = vector.multi_reduction <minsi>, %select_n3A, %reduce_min3A [0] : vector<91x900xi32> to vector<900xi32>
    %swap3A = arith.constant 0 : index
    %swap3A_8 = arith.constant 0 : index
    %swap3A_9 = arith.constant 0 : index
    %swap3A_10 = vector.load %arg2[%swap3A, %swap3A_8, %swap3A_9] : memref<16x1x900xf32, #tpu.memory_space<vmem>>, vector<1x1x900xf32>
    %swap3A_11 = vector.shape_cast %swap3A_10 : vector<1x1x900xf32> to vector<900xf32>
    %swap3A_12 = vector.shape_cast %reduce_max3A_4 : vector<900xf32> to vector<1x1x900xf32>
    tpu.vector_store %arg2[%swap3A, %swap3A_8, %swap3A_9], %swap3A_12 {strides = array<i32>} : memref<16x1x900xf32, #tpu.memory_space<vmem>>, vector<1x1x900xf32>,
    %convert_element_type3A = arith.sitofp %reduce_min3A_7 : vector<900xi32> to vector<900xf32>
    %swap3A_13 = arith.constant 0 : index
    %swap3A_14 = arith.constant 0 : index
    %swap3A_15 = arith.constant 0 : index
    %swap3A_16 = vector.load %arg3[%swap3A_13, %swap3A_14, %swap3A_15] : memref<16x1x900xf32, #tpu.memory_space<vmem>>, vector<1x1x900xf32>
    %swap3A_17 = vector.shape_cast %swap3A_16 : vector<1x1x900xf32> to vector<900xf32>
    %swap3A_18 = vector.shape_cast %convert_element_type3A : vector<900xf32> to vector<1x1x900xf32>
    tpu.vector_store %arg3[%swap3A_13, %swap3A_14, %swap3A_15], %swap3A_18 {strides = array<i32>} : memref<16x1x900xf32, #tpu.memory_space<vmem>>, vector<1x1x900xf32>,
    %get3A_19 = arith.constant 1 : index
    %get3A_20 = arith.constant 0 : index
    %get3A_21 = arith.constant 0 : index
    %get3A_22 = vector.load %arg1[%get3A_19, %get3A_20, %get3A_21] : memref<16x900x91xf32, #tpu.memory_space<vmem>>, vector<1x900x91xf32>
    %get3A_23 = vector.shape_cast %get3A_22 : vector<1x900x91xf32> to vector<900x91xf32>
    %transpose3A_24 = tpu.transpose %get3A_23, [1, 0] : vector<900x91xf32> -> vector<91x900xf32>
    %reduce_max3A_25 = arith.constant dense<0xFF800000> : vector<900xf32>
    %reduce_max3A_26 = vector.multi_reduction <maximumf>, %transpose3A_24, %reduce_max3A_25 [0] : vector<91x900xf32> to vector<900xf32>
    %iota3A_27 = tpu.iota {dimensions = array<i32: 0>} : vector<91x900xi32>
    %broadcast_in_dim3A_28 = vector.shape_cast %reduce_max3A_26 : vector<900xf32> to vector<1x900xf32>
    %eq3A_29 = vector.broadcast %broadcast_in_dim3A_28 : vector<1x900xf32> to vector<91x900xf32>
    %eq3A_30 = arith.cmpf oeq, %transpose3A_24, %eq3A_29 : vector<91x900xf32>
    %jit3A_31 = arith.constant 91 : i32
    %broadcast_in_dim3A_32 = vector.broadcast %jit3A_31 : i32 to vector<91x900xi32>
    %select_n3A_33 = arith.select %eq3A_30, %iota3A_27, %broadcast_in_dim3A_32 : vector<91x900xi1>, vector<91x900xi32>
    %reduce_min3A_34 = arith.constant dense<2147483647> : vector<900xi32>
    %reduce_min3A_35 = vector.multi_reduction <minsi>, %select_n3A_33, %reduce_min3A_34 [0] : vector<91x900xi32> to vector<900xi32>
    %swap3A_36 = arith.constant 1 : index
    %swap3A_37 = arith.constant 0 : index
    %swap3A_38 = arith.constant 0 : index
    %swap3A_39 = vector.load %arg2[%swap3A_36, %swap3A_37, %swap3A_38] : memref<16x1x900xf32, #tpu.memory_space<vmem>>, vector<1x1x900xf32>
    %swap3A_40 = vector.shape_cast %swap3A_39 : vector<1x1x900xf32> to vector<900xf32>
    %swap3A_41 = vector.shape_cast %reduce_max3A_26 : vector<900xf32> to vector<1x1x900xf32>
    tpu.vector_store %arg2[%swap3A_36, %swap3A_37, %swap3A_38], %swap3A_41 {strides = array<i32>} : memref<16x1x900xf32, #tpu.memory_space<vmem>>, vector<1x1x900xf32>,
    %convert_element_type3A_42 = arith.sitofp %reduce_min3A_35 : vector<900xi32> to vector<900xf32>
    %swap3A_43 = arith.constant 1 : index
    %swap3A_44 = arith.constant 0 : index
    %swap3A_45 = arith.constant 0 : index
    %swap3A_46 = vector.load %arg3[%swap3A_43, %swap3A_44, %swap3A_45] : memref<16x1x900xf32, #tpu.memory_space<vmem>>, vector<1x1x900xf32>
    %swap3A_47 = vector.shape_cast %swap3A_46 : vector<1x1x900xf32> to vector<900xf32>
    %swap3A_48 = vector.shape_cast %convert_element_type3A_42 : vector<900xf32> to vector<1x1x900xf32>
    tpu.vector_store %arg3[%swap3A_43, %swap3A_44, %swap3A_45], %swap3A_48 {strides = array<i32>} : memref<16x1x900xf32, #tpu.memory_space<vmem>>, vector<1x1x900xf32>,
    %get3A_49 = arith.constant 2 : index
    %get3A_50 = arith.constant 0 : index
    %get3A_51 = arith.constant 0 : index
    %get3A_52 = vector.load %arg1[%get3A_49, %get3A_50, %get3A_51] : memref<16x900x91xf32, #tpu.memory_space<vmem>>, vector<1x900x91xf32>
    %get3A_53 = vector.shape_cast %get3A_52 : vector<1x900x91xf32> to vector<900x91xf32>
    %transpose3A_54 = tpu.transpose %get3A_53, [1, 0] : vector<900x91xf32> -> vector<91x900xf32>
    %reduce_max3A_55 = arith.constant dense<0xFF800000> : vector<900xf32>
    %reduce_max3A_56 = vector.multi_reduction <maximumf>, %transpose3A_54, %reduce_max3A_55 [0] : vector<91x900xf32> to vector<900xf32>
    %iota3A_57 = tpu.iota {dimensions = array<i32: 0>} : vector<91x900xi32>
    %broadcast_in_dim3A_58 = vector.shape_cast %reduce_max3A_56 : vector<900xf32> to vector<1x900xf32>
    %eq3A_59 = vector.broadcast %broadcast_in_dim3A_58 : vector<1x900xf32> to vector<91x900xf32>
    %eq3A_60 = arith.cmpf oeq, %transpose3A_54, %eq3A_59 : vector<91x900xf32>
    %jit3A_61 = arith.constant 91 : i32
    %broadcast_in_dim3A_62 = vector.broadcast %jit3A_61 : i32 to vector<91x900xi32>
    %select_n3A_63 = arith.select %eq3A_60, %iota3A_57, %broadcast_in_dim3A_62 : vector<91x900xi1>, vector<91x900xi32>
    %reduce_min3A_64 = arith.constant dense<2147483647> : vector<900xi32>
    %reduce_min3A_65 = vector.multi_reduction <minsi>, %select_n3A_63, %reduce_min3A_64 [0] : vector<91x900xi32> to vector<900xi32>
    %swap3A_66 = arith.constant 2 : index
    %swap3A_67 = arith.constant 0 : index
    %swap3A_68 = arith.constant 0 : index
    %swap3A_69 = vector.load %arg2[%swap3A_66, %swap3A_67, %swap3A_68] : memref<16x1x900xf32, #tpu.memory_space<vmem>>, vector<1x1x900xf32>
    %swap3A_70 = vector.shape_cast %swap3A_69 : vector<1x1x900xf32> to vector<900xf32>
    %swap3A_71 = vector.shape_cast %reduce_max3A_56 : vector<900xf32> to vector<1x1x900xf32>
    tpu.vector_store %arg2[%swap3A_66, %swap3A_67, %swap3A_68], %swap3A_71 {strides = array<i32>} : memref<16x1x900xf32, #tpu.memory_space<vmem>>, vector<1x1x900xf32>,
    %convert_element_type3A_72 = arith.sitofp %reduce_min3A_65 : vector<900xi32> to vector<900xf32>
    %swap3A_73 = arith.constant 2 : index
    %swap3A_74 = arith.constant 0 : index
    %swap3A_75 = arith.constant 0 : index
    %swap3A_76 = vector.load %arg3[%swap3A_73, %swap3A_74, %swap3A_75] : memref<16x1x900xf32, #tpu.memory_space<vmem>>, vector<1x1x900xf32>
    %swap3A_77 = vector.shape_cast %swap3A_76 : vector<1x1x900xf32> to vector<900xf32>
    %swap3A_78 = vector.shape_cast %convert_element_type3A_72 : vector<900xf32> to vector<1x1x900xf32>
    tpu.vector_store %arg3[%swap3A_73, %swap3A_74, %swap3A_75], %swap3A_78 {strides = array<i32>} : memref<16x1x900xf32, #tpu.memory_space<vmem>>, vector<1x1x900xf32>,
    %get3A_79 = arith.constant 3 : index
    %get3A_80 = arith.constant 0 : index
    %get3A_81 = arith.constant 0 : index
    %get3A_82 = vector.load %arg1[%get3A_79, %get3A_80, %get3A_81] : memref<16x900x91xf32, #tpu.memory_space<vmem>>, vector<1x900x91xf32>
    %get3A_83 = vector.shape_cast %get3A_82 : vector<1x900x91xf32> to vector<900x91xf32>
    %transpose3A_84 = tpu.transpose %get3A_83, [1, 0] : vector<900x91xf32> -> vector<91x900xf32>
    %reduce_max3A_85 = arith.constant dense<0xFF800000> : vector<900xf32>
    %reduce_max3A_86 = vector.multi_reduction <maximumf>, %transpose3A_84, %reduce_max3A_85 [0] : vector<91x900xf32> to vector<900xf32>
    %iota3A_87 = tpu.iota {dimensions = array<i32: 0>} : vector<91x900xi32>
    %broadcast_in_dim3A_88 = vector.shape_cast %reduce_max3A_86 : vector<900xf32> to vector<1x900xf32>
    %eq3A_89 = vector.broadcast %broadcast_in_dim3A_88 : vector<1x900xf32> to vector<91x900xf32>
    %eq3A_90 = arith.cmpf oeq, %transpose3A_84, %eq3A_89 : vector<91x900xf32>
    %jit3A_91 = arith.constant 91 : i32
    %broadcast_in_dim3A_92 = vector.broadcast %jit3A_91 : i32 to vector<91x900xi32>
    %select_n3A_93 = arith.select %eq3A_90, %iota3A_87, %broadcast_in_dim3A_92 : vector<91x900xi1>, vector<91x900xi32>
    %reduce_min3A_94 = arith.constant dense<2147483647> : vector<900xi32>
    %reduce_min3A_95 = vector.multi_reduction <minsi>, %select_n3A_93, %reduce_min3A_94 [0] : vector<91x900xi32> to vector<900xi32>
    %swap3A_96 = arith.constant 3 : index
    %swap3A_97 = arith.constant 0 : index
    %swap3A_98 = arith.constant 0 : index
    %swap3A_99 = vector.load %arg2[%swap3A_96, %swap3A_97, %swap3A_98] : memref<16x1x900xf32, #tpu.memory_space<vmem>>, vector<1x1x900xf32>
    %swap3A_100 = vector.shape_cast %swap3A_99 : vector<1x1x900xf32> to vector<900xf32>
    %swap3A_101 = vector.shape_cast %reduce_max3A_86 : vector<900xf32> to vector<1x1x900xf32>
    tpu.vector_store %arg2[%swap3A_96, %swap3A_97, %swap3A_98], %swap3A_101 {strides = array<i32>} : memref<16x1x900xf32, #tpu.memory_space<vmem>>, vector<1x1x900xf32>,
    %convert_element_type3A_102 = arith.sitofp %reduce_min3A_95 : vector<900xi32> to vector<900xf32>
    %swap3A_103 = arith.constant 3 : index
    %swap3A_104 = arith.constant 0 : index
    %swap3A_105 = arith.constant 0 : index
    %swap3A_106 = vector.load %arg3[%swap3A_103, %swap3A_104, %swap3A_105] : memref<16x1x900xf32, #tpu.memory_space<vmem>>, vector<1x1x900xf32>
    %swap3A_107 = vector.shape_cast %swap3A_106 : vector<1x1x900xf32> to vector<900xf32>
    %swap3A_108 = vector.shape_cast %convert_element_type3A_102 : vector<900xf32> to vector<1x1x900xf32>
    tpu.vector_store %arg3[%swap3A_103, %swap3A_104, %swap3A_105], %swap3A_108 {strides = array<i32>} : memref<16x1x900xf32, #tpu.memory_space<vmem>>, vector<1x1x900xf32>,
    %get3A_109 = arith.constant 4 : index
    %get3A_110 = arith.constant 0 : index
    %get3A_111 = arith.constant 0 : index
    %get3A_112 = vector.load %arg1[%get3A_109, %get3A_110, %get3A_111] : memref<16x900x91xf32, #tpu.memory_space<vmem>>, vector<1x900x91xf32>
    %get3A_113 = vector.shape_cast %get3A_112 : vector<1x900x91xf32> to vector<900x91xf32>
    %transpose3A_114 = tpu.transpose %get3A_113, [1, 0] : vector<900x91xf32> -> vector<91x900xf32>
    %reduce_max3A_115 = arith.constant dense<0xFF800000> : vector<900xf32>
    %reduce_max3A_116 = vector.multi_reduction <maximumf>, %transpose3A_114, %reduce_max3A_115 [0] : vector<91x900xf32> to vector<900xf32>
    %iota3A_117 = tpu.iota {dimensions = array<i32: 0>} : vector<91x900xi32>
    %broadcast_in_dim3A_118 = vector.shape_cast %reduce_max3A_116 : vector<900xf32> to vector<1x900xf32>
    %eq3A_119 = vector.broadcast %broadcast_in_dim3A_118 : vector<1x900xf32> to vector<91x900xf32>
    %eq3A_120 = arith.cmpf oeq, %transpose3A_114, %eq3A_119 : vector<91x900xf32>
    %jit3A_121 = arith.constant 91 : i32
    %broadcast_in_dim3A_122 = vector.broadcast %jit3A_121 : i32 to vector<91x900xi32>
    %select_n3A_123 = arith.select %eq3A_120, %iota3A_117, %broadcast_in_dim3A_122 : vector<91x900xi1>, vector<91x900xi32>
    %reduce_min3A_124 = arith.constant dense<2147483647> : vector<900xi32>
    %reduce_min3A_125 = vector.multi_reduction <minsi>, %select_n3A_123, %reduce_min3A_124 [0] : vector<91x900xi32> to vector<900xi32>
    %swap3A_126 = arith.constant 4 : index
    %swap3A_127 = arith.constant 0 : index
    %swap3A_128 = arith.constant 0 : index
    %swap3A_129 = vector.load %arg2[%swap3A_126, %swap3A_127, %swap3A_128] : memref<16x1x900xf32, #tpu.memory_space<vmem>>, vector<1x1x900xf32>
    %swap3A_130 = vector.shape_cast %swap3A_129 : vector<1x1x900xf32> to vector<900xf32>
    %swap3A_131 = vector.shape_cast %reduce_max3A_116 : vector<900xf32> to vector<1x1x900xf32>
    tpu.vector_store %arg2[%swap3A_126, %swap3A_127, %swap3A_128], %swap3A_131 {strides = array<i32>} : memref<16x1x900xf32, #tpu.memory_space<vmem>>, vector<1x1x900xf32>,
    %convert_element_type3A_132 = arith.sitofp %reduce_min3A_125 : vector<900xi32> to vector<900xf32>
    %swap3A_133 = arith.constant 4 : index
    %swap3A_134 = arith.constant 0 : index
    %swap3A_135 = arith.constant 0 : index
    %swap3A_136 = vector.load %arg3[%swap3A_133, %swap3A_134, %swap3A_135] : memref<16x1x900xf32, #tpu.memory_space<vmem>>, vector<1x1x900xf32>
    %swap3A_137 = vector.shape_cast %swap3A_136 : vector<1x1x900xf32> to vector<900xf32>
    %swap3A_138 = vector.shape_cast %convert_element_type3A_132 : vector<900xf32> to vector<1x1x900xf32>
    tpu.vector_store %arg3[%swap3A_133, %swap3A_134, %swap3A_135], %swap3A_138 {strides = array<i32>} : memref<16x1x900xf32, #tpu.memory_space<vmem>>, vector<1x1x900xf32>,
    %get3A_139 = arith.constant 5 : index
    %get3A_140 = arith.constant 0 : index
    %get3A_141 = arith.constant 0 : index
    %get3A_142 = vector.load %arg1[%get3A_139, %get3A_140, %get3A_141] : memref<16x900x91xf32, #tpu.memory_space<vmem>>, vector<1x900x91xf32>
    %get3A_143 = vector.shape_cast %get3A_142 : vector<1x900x91xf32> to vector<900x91xf32>
    %transpose3A_144 = tpu.transpose %get3A_143, [1, 0] : vector<900x91xf32> -> vector<91x900xf32>
    %reduce_max3A_145 = arith.constant dense<0xFF800000> : vector<900xf32>
    %reduce_max3A_146 = vector.multi_reduction <maximumf>, %transpose3A_144, %reduce_max3A_145 [0] : vector<91x900xf32> to vector<900xf32>
    %iota3A_147 = tpu.iota {dimensions = array<i32: 0>} : vector<91x900xi32>
    %broadcast_in_dim3A_148 = vector.shape_cast %reduce_max3A_146 : vector<900xf32> to vector<1x900xf32>
    %eq3A_149 = vector.broadcast %broadcast_in_dim3A_148 : vector<1x900xf32> to vector<91x900xf32>
    %eq3A_150 = arith.cmpf oeq, %transpose3A_144, %eq3A_149 : vector<91x900xf32>
    %jit3A_151 = arith.constant 91 : i32
    %broadcast_in_dim3A_152 = vector.broadcast %jit3A_151 : i32 to vector<91x900xi32>
    %select_n3A_153 = arith.select %eq3A_150, %iota3A_147, %broadcast_in_dim3A_152 : vector<91x900xi1>, vector<91x900xi32>
    %reduce_min3A_154 = arith.constant dense<2147483647> : vector<900xi32>
    %reduce_min3A_155 = vector.multi_reduction <minsi>, %select_n3A_153, %reduce_min3A_154 [0] : vector<91x900xi32> to vector<900xi32>
    %swap3A_156 = arith.constant 5 : index
    %swap3A_157 = arith.constant 0 : index
    %swap3A_158 = arith.constant 0 : index
    %swap3A_159 = vector.load %arg2[%swap3A_156, %swap3A_157, %swap3A_158] : memref<16x1x900xf32, #tpu.memory_space<vmem>>, vector<1x1x900xf32>
    %swap3A_160 = vector.shape_cast %swap3A_159 : vector<1x1x900xf32> to vector<900xf32>
    %swap3A_161 = vector.shape_cast %reduce_max3A_146 : vector<900xf32> to vector<1x1x900xf32>
    tpu.vector_store %arg2[%swap3A_156, %swap3A_157, %swap3A_158], %swap3A_161 {strides = array<i32>} : memref<16x1x900xf32, #tpu.memory_space<vmem>>, vector<1x1x900xf32>,
    %convert_element_type3A_162 = arith.sitofp %reduce_min3A_155 : vector<900xi32> to vector<900xf32>
    %swap3A_163 = arith.constant 5 : index
    %swap3A_164 = arith.constant 0 : index
    %swap3A_165 = arith.constant 0 : index
    %swap3A_166 = vector.load %arg3[%swap3A_163, %swap3A_164, %swap3A_165] : memref<16x1x900xf32, #tpu.memory_space<vmem>>, vector<1x1x900xf32>
    %swap3A_167 = vector.shape_cast %swap3A_166 : vector<1x1x900xf32> to vector<900xf32>
    %swap3A_168 = vector.shape_cast %convert_element_type3A_162 : vector<900xf32> to vector<1x1x900xf32>
    tpu.vector_store %arg3[%swap3A_163, %swap3A_164, %swap3A_165], %swap3A_168 {strides = array<i32>} : memref<16x1x900xf32, #tpu.memory_space<vmem>>, vector<1x1x900xf32>,
    %get3A_169 = arith.constant 6 : index
    %get3A_170 = arith.constant 0 : index
    %get3A_171 = arith.constant 0 : index
    %get3A_172 = vector.load %arg1[%get3A_169, %get3A_170, %get3A_171] : memref<16x900x91xf32, #tpu.memory_space<vmem>>, vector<1x900x91xf32>
    %get3A_173 = vector.shape_cast %get3A_172 : vector<1x900x91xf32> to vector<900x91xf32>
    %transpose3A_174 = tpu.transpose %get3A_173, [1, 0] : vector<900x91xf32> -> vector<91x900xf32>
    %reduce_max3A_175 = arith.constant dense<0xFF800000> : vector<900xf32>
    %reduce_max3A_176 = vector.multi_reduction <maximumf>, %transpose3A_174, %reduce_max3A_175 [0] : vector<91x900xf32> to vector<900xf32>
    %iota3A_177 = tpu.iota {dimensions = array<i32: 0>} : vector<91x900xi32>
    %broadcast_in_dim3A_178 = vector.shape_cast %reduce_max3A_176 : vector<900xf32> to vector<1x900xf32>
    %eq3A_179 = vector.broadcast %broadcast_in_dim3A_178 : vector<1x900xf32> to vector<91x900xf32>
    %eq3A_180 = arith.cmpf oeq, %transpose3A_174, %eq3A_179 : vector<91x900xf32>
    %jit3A_181 = arith.constant 91 : i32
    %broadcast_in_dim3A_182 = vector.broadcast %jit3A_181 : i32 to vector<91x900xi32>
    %select_n3A_183 = arith.select %eq3A_180, %iota3A_177, %broadcast_in_dim3A_182 : vector<91x900xi1>, vector<91x900xi32>
    %reduce_min3A_184 = arith.constant dense<2147483647> : vector<900xi32>
    %reduce_min3A_185 = vector.multi_reduction <minsi>, %select_n3A_183, %reduce_min3A_184 [0] : vector<91x900xi32> to vector<900xi32>
    %swap3A_186 = arith.constant 6 : index
    %swap3A_187 = arith.constant 0 : index
    %swap3A_188 = arith.constant 0 : index
    %swap3A_189 = vector.load %arg2[%swap3A_186, %swap3A_187, %swap3A_188] : memref<16x1x900xf32, #tpu.memory_space<vmem>>, vector<1x1x900xf32>
    %swap3A_190 = vector.shape_cast %swap3A_189 : vector<1x1x900xf32> to vector<900xf32>
    %swap3A_191 = vector.shape_cast %reduce_max3A_176 : vector<900xf32> to vector<1x1x900xf32>
    tpu.vector_store %arg2[%swap3A_186, %swap3A_187, %swap3A_188], %swap3A_191 {strides = array<i32>} : memref<16x1x900xf32, #tpu.memory_space<vmem>>, vector<1x1x900xf32>,
    %convert_element_type3A_192 = arith.sitofp %reduce_min3A_185 : vector<900xi32> to vector<900xf32>
    %swap3A_193 = arith.constant 6 : index
    %swap3A_194 = arith.constant 0 : index
    %swap3A_195 = arith.constant 0 : index
    %swap3A_196 = vector.load %arg3[%swap3A_193, %swap3A_194, %swap3A_195] : memref<16x1x900xf32, #tpu.memory_space<vmem>>, vector<1x1x900xf32>
    %swap3A_197 = vector.shape_cast %swap3A_196 : vector<1x1x900xf32> to vector<900xf32>
    %swap3A_198 = vector.shape_cast %convert_element_type3A_192 : vector<900xf32> to vector<1x1x900xf32>
    tpu.vector_store %arg3[%swap3A_193, %swap3A_194, %swap3A_195], %swap3A_198 {strides = array<i32>} : memref<16x1x900xf32, #tpu.memory_space<vmem>>, vector<1x1x900xf32>,
    %get3A_199 = arith.constant 7 : index
    %get3A_200 = arith.constant 0 : index
    %get3A_201 = arith.constant 0 : index
    %get3A_202 = vector.load %arg1[%get3A_199, %get3A_200, %get3A_201] : memref<16x900x91xf32, #tpu.memory_space<vmem>>, vector<1x900x91xf32>
    %get3A_203 = vector.shape_cast %get3A_202 : vector<1x900x91xf32> to vector<900x91xf32>
    %transpose3A_204 = tpu.transpose %get3A_203, [1, 0] : vector<900x91xf32> -> vector<91x900xf32>
    %reduce_max3A_205 = arith.constant dense<0xFF800000> : vector<900xf32>
    %reduce_max3A_206 = vector.multi_reduction <maximumf>, %transpose3A_204, %reduce_max3A_205 [0] : vector<91x900xf32> to vector<900xf32>
    %iota3A_207 = tpu.iota {dimensions = array<i32: 0>} : vector<91x900xi32>
    %broadcast_in_dim3A_208 = vector.shape_cast %reduce_max3A_206 : vector<900xf32> to vector<1x900xf32>
    %eq3A_209 = vector.broadcast %broadcast_in_dim3A_208 : vector<1x900xf32> to vector<91x900xf32>
    %eq3A_210 = arith.cmpf oeq, %transpose3A_204, %eq3A_209 : vector<91x900xf32>
    %jit3A_211 = arith.constant 91 : i32
    %broadcast_in_dim3A_212 = vector.broadcast %jit3A_211 : i32 to vector<91x900xi32>
    %select_n3A_213 = arith.select %eq3A_210, %iota3A_207, %broadcast_in_dim3A_212 : vector<91x900xi1>, vector<91x900xi32>
    %reduce_min3A_214 = arith.constant dense<2147483647> : vector<900xi32>
    %reduce_min3A_215 = vector.multi_reduction <minsi>, %select_n3A_213, %reduce_min3A_214 [0] : vector<91x900xi32> to vector<900xi32>
    %swap3A_216 = arith.constant 7 : index
    %swap3A_217 = arith.constant 0 : index
    %swap3A_218 = arith.constant 0 : index
    %swap3A_219 = vector.load %arg2[%swap3A_216, %swap3A_217, %swap3A_218] : memref<16x1x900xf32, #tpu.memory_space<vmem>>, vector<1x1x900xf32>
    %swap3A_220 = vector.shape_cast %swap3A_219 : vector<1x1x900xf32> to vector<900xf32>
    %swap3A_221 = vector.shape_cast %reduce_max3A_206 : vector<900xf32> to vector<1x1x900xf32>
    tpu.vector_store %arg2[%swap3A_216, %swap3A_217, %swap3A_218], %swap3A_221 {strides = array<i32>} : memref<16x1x900xf32, #tpu.memory_space<vmem>>, vector<1x1x900xf32>,
    %convert_element_type3A_222 = arith.sitofp %reduce_min3A_215 : vector<900xi32> to vector<900xf32>
    %swap3A_223 = arith.constant 7 : index
    %swap3A_224 = arith.constant 0 : index
    %swap3A_225 = arith.constant 0 : index
    %swap3A_226 = vector.load %arg3[%swap3A_223, %swap3A_224, %swap3A_225] : memref<16x1x900xf32, #tpu.memory_space<vmem>>, vector<1x1x900xf32>
    %swap3A_227 = vector.shape_cast %swap3A_226 : vector<1x1x900xf32> to vector<900xf32>
    %swap3A_228 = vector.shape_cast %convert_element_type3A_222 : vector<900xf32> to vector<1x1x900xf32>
    tpu.vector_store %arg3[%swap3A_223, %swap3A_224, %swap3A_225], %swap3A_228 {strides = array<i32>} : memref<16x1x900xf32, #tpu.memory_space<vmem>>, vector<1x1x900xf32>,
    %get3A_229 = arith.constant 8 : index
    %get3A_230 = arith.constant 0 : index
    %get3A_231 = arith.constant 0 : index
    %get3A_232 = vector.load %arg1[%get3A_229, %get3A_230, %get3A_231] : memref<16x900x91xf32, #tpu.memory_space<vmem>>, vector<1x900x91xf32>
    %get3A_233 = vector.shape_cast %get3A_232 : vector<1x900x91xf32> to vector<900x91xf32>
    %transpose3A_234 = tpu.transpose %get3A_233, [1, 0] : vector<900x91xf32> -> vector<91x900xf32>
    %reduce_max3A_235 = arith.constant dense<0xFF800000> : vector<900xf32>
    %reduce_max3A_236 = vector.multi_reduction <maximumf>, %transpose3A_234, %reduce_max3A_235 [0] : vector<91x900xf32> to vector<900xf32>
    %iota3A_237 = tpu.iota {dimensions = array<i32: 0>} : vector<91x900xi32>
    %broadcast_in_dim3A_238 = vector.shape_cast %reduce_max3A_236 : vector<900xf32> to vector<1x900xf32>
    %eq3A_239 = vector.broadcast %broadcast_in_dim3A_238 : vector<1x900xf32> to vector<91x900xf32>
    %eq3A_240 = arith.cmpf oeq, %transpose3A_234, %eq3A_239 : vector<91x900xf32>
    %jit3A_241 = arith.constant 91 : i32
    %broadcast_in_dim3A_242 = vector.broadcast %jit3A_241 : i32 to vector<91x900xi32>
    %select_n3A_243 = arith.select %eq3A_240, %iota3A_237, %broadcast_in_dim3A_242 : vector<91x900xi1>, vector<91x900xi32>
    %reduce_min3A_244 = arith.constant dense<2147483647> : vector<900xi32>
    %reduce_min3A_245 = vector.multi_reduction <minsi>, %select_n3A_243, %reduce_min3A_244 [0] : vector<91x900xi32> to vector<900xi32>
    %swap3A_246 = arith.constant 8 : index
    %swap3A_247 = arith.constant 0 : index
    %swap3A_248 = arith.constant 0 : index
    %swap3A_249 = vector.load %arg2[%swap3A_246, %swap3A_247, %swap3A_248] : memref<16x1x900xf32, #tpu.memory_space<vmem>>, vector<1x1x900xf32>
    %swap3A_250 = vector.shape_cast %swap3A_249 : vector<1x1x900xf32> to vector<900xf32>
    %swap3A_251 = vector.shape_cast %reduce_max3A_236 : vector<900xf32> to vector<1x1x900xf32>
    tpu.vector_store %arg2[%swap3A_246, %swap3A_247, %swap3A_248], %swap3A_251 {strides = array<i32>} : memref<16x1x900xf32, #tpu.memory_space<vmem>>, vector<1x1x900xf32>,
    %convert_element_type3A_252 = arith.sitofp %reduce_min3A_245 : vector<900xi32> to vector<900xf32>
    %swap3A_253 = arith.constant 8 : index
    %swap3A_254 = arith.constant 0 : index
    %swap3A_255 = arith.constant 0 : index
    %swap3A_256 = vector.load %arg3[%swap3A_253, %swap3A_254, %swap3A_255] : memref<16x1x900xf32, #tpu.memory_space<vmem>>, vector<1x1x900xf32>
    %swap3A_257 = vector.shape_cast %swap3A_256 : vector<1x1x900xf32> to vector<900xf32>
    %swap3A_258 = vector.shape_cast %convert_element_type3A_252 : vector<900xf32> to vector<1x1x900xf32>
    tpu.vector_store %arg3[%swap3A_253, %swap3A_254, %swap3A_255], %swap3A_258 {strides = array<i32>} : memref<16x1x900xf32, #tpu.memory_space<vmem>>, vector<1x1x900xf32>,
    %get3A_259 = arith.constant 9 : index
    %get3A_260 = arith.constant 0 : index
    %get3A_261 = arith.constant 0 : index
    %get3A_262 = vector.load %arg1[%get3A_259, %get3A_260, %get3A_261] : memref<16x900x91xf32, #tpu.memory_space<vmem>>, vector<1x900x91xf32>
    %get3A_263 = vector.shape_cast %get3A_262 : vector<1x900x91xf32> to vector<900x91xf32>
    %transpose3A_264 = tpu.transpose %get3A_263, [1, 0] : vector<900x91xf32> -> vector<91x900xf32>
    %reduce_max3A_265 = arith.constant dense<0xFF800000> : vector<900xf32>
    %reduce_max3A_266 = vector.multi_reduction <maximumf>, %transpose3A_264, %reduce_max3A_265 [0] : vector<91x900xf32> to vector<900xf32>
    %iota3A_267 = tpu.iota {dimensions = array<i32: 0>} : vector<91x900xi32>
    %broadcast_in_dim3A_268 = vector.shape_cast %reduce_max3A_266 : vector<900xf32> to vector<1x900xf32>
    %eq3A_269 = vector.broadcast %broadcast_in_dim3A_268 : vector<1x900xf32> to vector<91x900xf32>
    %eq3A_270 = arith.cmpf oeq, %transpose3A_264, %eq3A_269 : vector<91x900xf32>
    %jit3A_271 = arith.constant 91 : i32
    %broadcast_in_dim3A_272 = vector.broadcast %jit3A_271 : i32 to vector<91x900xi32>
    %select_n3A_273 = arith.select %eq3A_270, %iota3A_267, %broadcast_in_dim3A_272 : vector<91x900xi1>, vector<91x900xi32>
    %reduce_min3A_274 = arith.constant dense<2147483647> : vector<900xi32>
    %reduce_min3A_275 = vector.multi_reduction <minsi>, %select_n3A_273, %reduce_min3A_274 [0] : vector<91x900xi32> to vector<900xi32>
    %swap3A_276 = arith.constant 9 : index
    %swap3A_277 = arith.constant 0 : index
    %swap3A_278 = arith.constant 0 : index
    %swap3A_279 = vector.load %arg2[%swap3A_276, %swap3A_277, %swap3A_278] : memref<16x1x900xf32, #tpu.memory_space<vmem>>, vector<1x1x900xf32>
    %swap3A_280 = vector.shape_cast %swap3A_279 : vector<1x1x900xf32> to vector<900xf32>
    %swap3A_281 = vector.shape_cast %reduce_max3A_266 : vector<900xf32> to vector<1x1x900xf32>
    tpu.vector_store %arg2[%swap3A_276, %swap3A_277, %swap3A_278], %swap3A_281 {strides = array<i32>} : memref<16x1x900xf32, #tpu.memory_space<vmem>>, vector<1x1x900xf32>,
    %convert_element_type3A_282 = arith.sitofp %reduce_min3A_275 : vector<900xi32> to vector<900xf32>
    %swap3A_283 = arith.constant 9 : index
    %swap3A_284 = arith.constant 0 : index
    %swap3A_285 = arith.constant 0 : index
    %swap3A_286 = vector.load %arg3[%swap3A_283, %swap3A_284, %swap3A_285] : memref<16x1x900xf32, #tpu.memory_space<vmem>>, vector<1x1x900xf32>
    %swap3A_287 = vector.shape_cast %swap3A_286 : vector<1x1x900xf32> to vector<900xf32>
    %swap3A_288 = vector.shape_cast %convert_element_type3A_282 : vector<900xf32> to vector<1x1x900xf32>
    tpu.vector_store %arg3[%swap3A_283, %swap3A_284, %swap3A_285], %swap3A_288 {strides = array<i32>} : memref<16x1x900xf32, #tpu.memory_space<vmem>>, vector<1x1x900xf32>,
    %get3A_289 = arith.constant 10 : index
    %get3A_290 = arith.constant 0 : index
    %get3A_291 = arith.constant 0 : index
    %get3A_292 = vector.load %arg1[%get3A_289, %get3A_290, %get3A_291] : memref<16x900x91xf32, #tpu.memory_space<vmem>>, vector<1x900x91xf32>
    %get3A_293 = vector.shape_cast %get3A_292 : vector<1x900x91xf32> to vector<900x91xf32>
    %transpose3A_294 = tpu.transpose %get3A_293, [1, 0] : vector<900x91xf32> -> vector<91x900xf32>
    %reduce_max3A_295 = arith.constant dense<0xFF800000> : vector<900xf32>
    %reduce_max3A_296 = vector.multi_reduction <maximumf>, %transpose3A_294, %reduce_max3A_295 [0] : vector<91x900xf32> to vector<900xf32>
    %iota3A_297 = tpu.iota {dimensions = array<i32: 0>} : vector<91x900xi32>
    %broadcast_in_dim3A_298 = vector.shape_cast %reduce_max3A_296 : vector<900xf32> to vector<1x900xf32>
    %eq3A_299 = vector.broadcast %broadcast_in_dim3A_298 : vector<1x900xf32> to vector<91x900xf32>
    %eq3A_300 = arith.cmpf oeq, %transpose3A_294, %eq3A_299 : vector<91x900xf32>
    %jit3A_301 = arith.constant 91 : i32
    %broadcast_in_dim3A_302 = vector.broadcast %jit3A_301 : i32 to vector<91x900xi32>
    %select_n3A_303 = arith.select %eq3A_300, %iota3A_297, %broadcast_in_dim3A_302 : vector<91x900xi1>, vector<91x900xi32>
    %reduce_min3A_304 = arith.constant dense<2147483647> : vector<900xi32>
    %reduce_min3A_305 = vector.multi_reduction <minsi>, %select_n3A_303, %reduce_min3A_304 [0] : vector<91x900xi32> to vector<900xi32>
    %swap3A_306 = arith.constant 10 : index
    %swap3A_307 = arith.constant 0 : index
    %swap3A_308 = arith.constant 0 : index
    %swap3A_309 = vector.load %arg2[%swap3A_306, %swap3A_307, %swap3A_308] : memref<16x1x900xf32, #tpu.memory_space<vmem>>, vector<1x1x900xf32>
    %swap3A_310 = vector.shape_cast %swap3A_309 : vector<1x1x900xf32> to vector<900xf32>
    %swap3A_311 = vector.shape_cast %reduce_max3A_296 : vector<900xf32> to vector<1x1x900xf32>
    tpu.vector_store %arg2[%swap3A_306, %swap3A_307, %swap3A_308], %swap3A_311 {strides = array<i32>} : memref<16x1x900xf32, #tpu.memory_space<vmem>>, vector<1x1x900xf32>,
    %convert_element_type3A_312 = arith.sitofp %reduce_min3A_305 : vector<900xi32> to vector<900xf32>
    %swap3A_313 = arith.constant 10 : index
    %swap3A_314 = arith.constant 0 : index
    %swap3A_315 = arith.constant 0 : index
    %swap3A_316 = vector.load %arg3[%swap3A_313, %swap3A_314, %swap3A_315] : memref<16x1x900xf32, #tpu.memory_space<vmem>>, vector<1x1x900xf32>
    %swap3A_317 = vector.shape_cast %swap3A_316 : vector<1x1x900xf32> to vector<900xf32>
    %swap3A_318 = vector.shape_cast %convert_element_type3A_312 : vector<900xf32> to vector<1x1x900xf32>
    tpu.vector_store %arg3[%swap3A_313, %swap3A_314, %swap3A_315], %swap3A_318 {strides = array<i32>} : memref<16x1x900xf32, #tpu.memory_space<vmem>>, vector<1x1x900xf32>,
    %get3A_319 = arith.constant 11 : index
    %get3A_320 = arith.constant 0 : index
    %get3A_321 = arith.constant 0 : index
    %get3A_322 = vector.load %arg1[%get3A_319, %get3A_320, %get3A_321] : memref<16x900x91xf32, #tpu.memory_space<vmem>>, vector<1x900x91xf32>
    %get3A_323 = vector.shape_cast %get3A_322 : vector<1x900x91xf32> to vector<900x91xf32>
    %transpose3A_324 = tpu.transpose %get3A_323, [1, 0] : vector<900x91xf32> -> vector<91x900xf32>
    %reduce_max3A_325 = arith.constant dense<0xFF800000> : vector<900xf32>
    %reduce_max3A_326 = vector.multi_reduction <maximumf>, %transpose3A_324, %reduce_max3A_325 [0] : vector<91x900xf32> to vector<900xf32>
    %iota3A_327 = tpu.iota {dimensions = array<i32: 0>} : vector<91x900xi32>
    %broadcast_in_dim3A_328 = vector.shape_cast %reduce_max3A_326 : vector<900xf32> to vector<1x900xf32>
    %eq3A_329 = vector.broadcast %broadcast_in_dim3A_328 : vector<1x900xf32> to vector<91x900xf32>
    %eq3A_330 = arith.cmpf oeq, %transpose3A_324, %eq3A_329 : vector<91x900xf32>
    %jit3A_331 = arith.constant 91 : i32
    %broadcast_in_dim3A_332 = vector.broadcast %jit3A_331 : i32 to vector<91x900xi32>
    %select_n3A_333 = arith.select %eq3A_330, %iota3A_327, %broadcast_in_dim3A_332 : vector<91x900xi1>, vector<91x900xi32>
    %reduce_min3A_334 = arith.constant dense<2147483647> : vector<900xi32>
    %reduce_min3A_335 = vector.multi_reduction <minsi>, %select_n3A_333, %reduce_min3A_334 [0] : vector<91x900xi32> to vector<900xi32>
    %swap3A_336 = arith.constant 11 : index
    %swap3A_337 = arith.constant 0 : index
    %swap3A_338 = arith.constant 0 : index
    %swap3A_339 = vector.load %arg2[%swap3A_336, %swap3A_337, %swap3A_338] : memref<16x1x900xf32, #tpu.memory_space<vmem>>, vector<1x1x900xf32>
    %swap3A_340 = vector.shape_cast %swap3A_339 : vector<1x1x900xf32> to vector<900xf32>
    %swap3A_341 = vector.shape_cast %reduce_max3A_326 : vector<900xf32> to vector<1x1x900xf32>
    tpu.vector_store %arg2[%swap3A_336, %swap3A_337, %swap3A_338], %swap3A_341 {strides = array<i32>} : memref<16x1x900xf32, #tpu.memory_space<vmem>>, vector<1x1x900xf32>,
    %convert_element_type3A_342 = arith.sitofp %reduce_min3A_335 : vector<900xi32> to vector<900xf32>
    %swap3A_343 = arith.constant 11 : index
    %swap3A_344 = arith.constant 0 : index
    %swap3A_345 = arith.constant 0 : index
    %swap3A_346 = vector.load %arg3[%swap3A_343, %swap3A_344, %swap3A_345] : memref<16x1x900xf32, #tpu.memory_space<vmem>>, vector<1x1x900xf32>
    %swap3A_347 = vector.shape_cast %swap3A_346 : vector<1x1x900xf32> to vector<900xf32>
    %swap3A_348 = vector.shape_cast %convert_element_type3A_342 : vector<900xf32> to vector<1x1x900xf32>
    tpu.vector_store %arg3[%swap3A_343, %swap3A_344, %swap3A_345], %swap3A_348 {strides = array<i32>} : memref<16x1x900xf32, #tpu.memory_space<vmem>>, vector<1x1x900xf32>,
    %get3A_349 = arith.constant 12 : index
    %get3A_350 = arith.constant 0 : index
    %get3A_351 = arith.constant 0 : index
    %get3A_352 = vector.load %arg1[%get3A_349, %get3A_350, %get3A_351] : memref<16x900x91xf32, #tpu.memory_space<vmem>>, vector<1x900x91xf32>
    %get3A_353 = vector.shape_cast %get3A_352 : vector<1x900x91xf32> to vector<900x91xf32>
    %transpose3A_354 = tpu.transpose %get3A_353, [1, 0] : vector<900x91xf32> -> vector<91x900xf32>
    %reduce_max3A_355 = arith.constant dense<0xFF800000> : vector<900xf32>
    %reduce_max3A_356 = vector.multi_reduction <maximumf>, %transpose3A_354, %reduce_max3A_355 [0] : vector<91x900xf32> to vector<900xf32>
    %iota3A_357 = tpu.iota {dimensions = array<i32: 0>} : vector<91x900xi32>
    %broadcast_in_dim3A_358 = vector.shape_cast %reduce_max3A_356 : vector<900xf32> to vector<1x900xf32>
    %eq3A_359 = vector.broadcast %broadcast_in_dim3A_358 : vector<1x900xf32> to vector<91x900xf32>
    %eq3A_360 = arith.cmpf oeq, %transpose3A_354, %eq3A_359 : vector<91x900xf32>
    %jit3A_361 = arith.constant 91 : i32
    %broadcast_in_dim3A_362 = vector.broadcast %jit3A_361 : i32 to vector<91x900xi32>
    %select_n3A_363 = arith.select %eq3A_360, %iota3A_357, %broadcast_in_dim3A_362 : vector<91x900xi1>, vector<91x900xi32>
    %reduce_min3A_364 = arith.constant dense<2147483647> : vector<900xi32>
    %reduce_min3A_365 = vector.multi_reduction <minsi>, %select_n3A_363, %reduce_min3A_364 [0] : vector<91x900xi32> to vector<900xi32>
    %swap3A_366 = arith.constant 12 : index
    %swap3A_367 = arith.constant 0 : index
    %swap3A_368 = arith.constant 0 : index
    %swap3A_369 = vector.load %arg2[%swap3A_366, %swap3A_367, %swap3A_368] : memref<16x1x900xf32, #tpu.memory_space<vmem>>, vector<1x1x900xf32>
    %swap3A_370 = vector.shape_cast %swap3A_369 : vector<1x1x900xf32> to vector<900xf32>
    %swap3A_371 = vector.shape_cast %reduce_max3A_356 : vector<900xf32> to vector<1x1x900xf32>
    tpu.vector_store %arg2[%swap3A_366, %swap3A_367, %swap3A_368], %swap3A_371 {strides = array<i32>} : memref<16x1x900xf32, #tpu.memory_space<vmem>>, vector<1x1x900xf32>,
    %convert_element_type3A_372 = arith.sitofp %reduce_min3A_365 : vector<900xi32> to vector<900xf32>
    %swap3A_373 = arith.constant 12 : index
    %swap3A_374 = arith.constant 0 : index
    %swap3A_375 = arith.constant 0 : index
    %swap3A_376 = vector.load %arg3[%swap3A_373, %swap3A_374, %swap3A_375] : memref<16x1x900xf32, #tpu.memory_space<vmem>>, vector<1x1x900xf32>
    %swap3A_377 = vector.shape_cast %swap3A_376 : vector<1x1x900xf32> to vector<900xf32>
    %swap3A_378 = vector.shape_cast %convert_element_type3A_372 : vector<900xf32> to vector<1x1x900xf32>
    tpu.vector_store %arg3[%swap3A_373, %swap3A_374, %swap3A_375], %swap3A_378 {strides = array<i32>} : memref<16x1x900xf32, #tpu.memory_space<vmem>>, vector<1x1x900xf32>,
    %get3A_379 = arith.constant 13 : index
    %get3A_380 = arith.constant 0 : index
    %get3A_381 = arith.constant 0 : index
    %get3A_382 = vector.load %arg1[%get3A_379, %get3A_380, %get3A_381] : memref<16x900x91xf32, #tpu.memory_space<vmem>>, vector<1x900x91xf32>
    %get3A_383 = vector.shape_cast %get3A_382 : vector<1x900x91xf32> to vector<900x91xf32>
    %transpose3A_384 = tpu.transpose %get3A_383, [1, 0] : vector<900x91xf32> -> vector<91x900xf32>
    %reduce_max3A_385 = arith.constant dense<0xFF800000> : vector<900xf32>
    %reduce_max3A_386 = vector.multi_reduction <maximumf>, %transpose3A_384, %reduce_max3A_385 [0] : vector<91x900xf32> to vector<900xf32>
    %iota3A_387 = tpu.iota {dimensions = array<i32: 0>} : vector<91x900xi32>
    %broadcast_in_dim3A_388 = vector.shape_cast %reduce_max3A_386 : vector<900xf32> to vector<1x900xf32>
    %eq3A_389 = vector.broadcast %broadcast_in_dim3A_388 : vector<1x900xf32> to vector<91x900xf32>
    %eq3A_390 = arith.cmpf oeq, %transpose3A_384, %eq3A_389 : vector<91x900xf32>
    %jit3A_391 = arith.constant 91 : i32
    %broadcast_in_dim3A_392 = vector.broadcast %jit3A_391 : i32 to vector<91x900xi32>
    %select_n3A_393 = arith.select %eq3A_390, %iota3A_387, %broadcast_in_dim3A_392 : vector<91x900xi1>, vector<91x900xi32>
    %reduce_min3A_394 = arith.constant dense<2147483647> : vector<900xi32>
    %reduce_min3A_395 = vector.multi_reduction <minsi>, %select_n3A_393, %reduce_min3A_394 [0] : vector<91x900xi32> to vector<900xi32>
    %swap3A_396 = arith.constant 13 : index
    %swap3A_397 = arith.constant 0 : index
    %swap3A_398 = arith.constant 0 : index
    %swap3A_399 = vector.load %arg2[%swap3A_396, %swap3A_397, %swap3A_398] : memref<16x1x900xf32, #tpu.memory_space<vmem>>, vector<1x1x900xf32>
    %swap3A_400 = vector.shape_cast %swap3A_399 : vector<1x1x900xf32> to vector<900xf32>
    %swap3A_401 = vector.shape_cast %reduce_max3A_386 : vector<900xf32> to vector<1x1x900xf32>
    tpu.vector_store %arg2[%swap3A_396, %swap3A_397, %swap3A_398], %swap3A_401 {strides = array<i32>} : memref<16x1x900xf32, #tpu.memory_space<vmem>>, vector<1x1x900xf32>,
    %convert_element_type3A_402 = arith.sitofp %reduce_min3A_395 : vector<900xi32> to vector<900xf32>
    %swap3A_403 = arith.constant 13 : index
    %swap3A_404 = arith.constant 0 : index
    %swap3A_405 = arith.constant 0 : index
    %swap3A_406 = vector.load %arg3[%swap3A_403, %swap3A_404, %swap3A_405] : memref<16x1x900xf32, #tpu.memory_space<vmem>>, vector<1x1x900xf32>
    %swap3A_407 = vector.shape_cast %swap3A_406 : vector<1x1x900xf32> to vector<900xf32>
    %swap3A_408 = vector.shape_cast %convert_element_type3A_402 : vector<900xf32> to vector<1x1x900xf32>
    tpu.vector_store %arg3[%swap3A_403, %swap3A_404, %swap3A_405], %swap3A_408 {strides = array<i32>} : memref<16x1x900xf32, #tpu.memory_space<vmem>>, vector<1x1x900xf32>,
    %get3A_409 = arith.constant 14 : index
    %get3A_410 = arith.constant 0 : index
    %get3A_411 = arith.constant 0 : index
    %get3A_412 = vector.load %arg1[%get3A_409, %get3A_410, %get3A_411] : memref<16x900x91xf32, #tpu.memory_space<vmem>>, vector<1x900x91xf32>
    %get3A_413 = vector.shape_cast %get3A_412 : vector<1x900x91xf32> to vector<900x91xf32>
    %transpose3A_414 = tpu.transpose %get3A_413, [1, 0] : vector<900x91xf32> -> vector<91x900xf32>
    %reduce_max3A_415 = arith.constant dense<0xFF800000> : vector<900xf32>
    %reduce_max3A_416 = vector.multi_reduction <maximumf>, %transpose3A_414, %reduce_max3A_415 [0] : vector<91x900xf32> to vector<900xf32>
    %iota3A_417 = tpu.iota {dimensions = array<i32: 0>} : vector<91x900xi32>
    %broadcast_in_dim3A_418 = vector.shape_cast %reduce_max3A_416 : vector<900xf32> to vector<1x900xf32>
    %eq3A_419 = vector.broadcast %broadcast_in_dim3A_418 : vector<1x900xf32> to vector<91x900xf32>
    %eq3A_420 = arith.cmpf oeq, %transpose3A_414, %eq3A_419 : vector<91x900xf32>
    %jit3A_421 = arith.constant 91 : i32
    %broadcast_in_dim3A_422 = vector.broadcast %jit3A_421 : i32 to vector<91x900xi32>
    %select_n3A_423 = arith.select %eq3A_420, %iota3A_417, %broadcast_in_dim3A_422 : vector<91x900xi1>, vector<91x900xi32>
    %reduce_min3A_424 = arith.constant dense<2147483647> : vector<900xi32>
    %reduce_min3A_425 = vector.multi_reduction <minsi>, %select_n3A_423, %reduce_min3A_424 [0] : vector<91x900xi32> to vector<900xi32>
    %swap3A_426 = arith.constant 14 : index
    %swap3A_427 = arith.constant 0 : index
    %swap3A_428 = arith.constant 0 : index
    %swap3A_429 = vector.load %arg2[%swap3A_426, %swap3A_427, %swap3A_428] : memref<16x1x900xf32, #tpu.memory_space<vmem>>, vector<1x1x900xf32>
    %swap3A_430 = vector.shape_cast %swap3A_429 : vector<1x1x900xf32> to vector<900xf32>
    %swap3A_431 = vector.shape_cast %reduce_max3A_416 : vector<900xf32> to vector<1x1x900xf32>
    tpu.vector_store %arg2[%swap3A_426, %swap3A_427, %swap3A_428], %swap3A_431 {strides = array<i32>} : memref<16x1x900xf32, #tpu.memory_space<vmem>>, vector<1x1x900xf32>,
    %convert_element_type3A_432 = arith.sitofp %reduce_min3A_425 : vector<900xi32> to vector<900xf32>
    %swap3A_433 = arith.constant 14 : index
    %swap3A_434 = arith.constant 0 : index
    %swap3A_435 = arith.constant 0 : index
    %swap3A_436 = vector.load %arg3[%swap3A_433, %swap3A_434, %swap3A_435] : memref<16x1x900xf32, #tpu.memory_space<vmem>>, vector<1x1x900xf32>
    %swap3A_437 = vector.shape_cast %swap3A_436 : vector<1x1x900xf32> to vector<900xf32>
    %swap3A_438 = vector.shape_cast %convert_element_type3A_432 : vector<900xf32> to vector<1x1x900xf32>
    tpu.vector_store %arg3[%swap3A_433, %swap3A_434, %swap3A_435], %swap3A_438 {strides = array<i32>} : memref<16x1x900xf32, #tpu.memory_space<vmem>>, vector<1x1x900xf32>,
    %get3A_439 = arith.constant 15 : index
    %get3A_440 = arith.constant 0 : index
    %get3A_441 = arith.constant 0 : index
    %get3A_442 = vector.load %arg1[%get3A_439, %get3A_440, %get3A_441] : memref<16x900x91xf32, #tpu.memory_space<vmem>>, vector<1x900x91xf32>
    %get3A_443 = vector.shape_cast %get3A_442 : vector<1x900x91xf32> to vector<900x91xf32>
    %transpose3A_444 = tpu.transpose %get3A_443, [1, 0] : vector<900x91xf32> -> vector<91x900xf32>
    %reduce_max3A_445 = arith.constant dense<0xFF800000> : vector<900xf32>
    %reduce_max3A_446 = vector.multi_reduction <maximumf>, %transpose3A_444, %reduce_max3A_445 [0] : vector<91x900xf32> to vector<900xf32>
    %iota3A_447 = tpu.iota {dimensions = array<i32: 0>} : vector<91x900xi32>
    %broadcast_in_dim3A_448 = vector.shape_cast %reduce_max3A_446 : vector<900xf32> to vector<1x900xf32>
    %eq3A_449 = vector.broadcast %broadcast_in_dim3A_448 : vector<1x900xf32> to vector<91x900xf32>
    %eq3A_450 = arith.cmpf oeq, %transpose3A_444, %eq3A_449 : vector<91x900xf32>
    %jit3A_451 = arith.constant 91 : i32
    %broadcast_in_dim3A_452 = vector.broadcast %jit3A_451 : i32 to vector<91x900xi32>
    %select_n3A_453 = arith.select %eq3A_450, %iota3A_447, %broadcast_in_dim3A_452 : vector<91x900xi1>, vector<91x900xi32>
    %reduce_min3A_454 = arith.constant dense<2147483647> : vector<900xi32>
    %reduce_min3A_455 = vector.multi_reduction <minsi>, %select_n3A_453, %reduce_min3A_454 [0] : vector<91x900xi32> to vector<900xi32>
    %swap3A_456 = arith.constant 15 : index
    %swap3A_457 = arith.constant 0 : index
    %swap3A_458 = arith.constant 0 : index
    %swap3A_459 = vector.load %arg2[%swap3A_456, %swap3A_457, %swap3A_458] : memref<16x1x900xf32, #tpu.memory_space<vmem>>, vector<1x1x900xf32>
    %swap3A_460 = vector.shape_cast %swap3A_459 : vector<1x1x900xf32> to vector<900xf32>
    %swap3A_461 = vector.shape_cast %reduce_max3A_446 : vector<900xf32> to vector<1x1x900xf32>
    tpu.vector_store %arg2[%swap3A_456, %swap3A_457, %swap3A_458], %swap3A_461 {strides = array<i32>} : memref<16x1x900xf32, #tpu.memory_space<vmem>>, vector<1x1x900xf32>,
    %convert_element_type3A_462 = arith.sitofp %reduce_min3A_455 : vector<900xi32> to vector<900xf32>
    %swap3A_463 = arith.constant 15 : index
    %swap3A_464 = arith.constant 0 : index
    %swap3A_465 = arith.constant 0 : index
    %swap3A_466 = vector.load %arg3[%swap3A_463, %swap3A_464, %swap3A_465] : memref<16x1x900xf32, #tpu.memory_space<vmem>>, vector<1x1x900xf32>
    %swap3A_467 = vector.shape_cast %swap3A_466 : vector<1x1x900xf32> to vector<900xf32>
    %swap3A_468 = vector.shape_cast %convert_element_type3A_462 : vector<900xf32> to vector<1x1x900xf32>
    tpu.vector_store %arg3[%swap3A_463, %swap3A_464, %swap3A_465], %swap3A_468 {strides = array<i32>} : memref<16x1x900xf32, #tpu.memory_space<vmem>>, vector<1x1x900xf32>,
    return
  }
  func.func @transform_0(%arg0: i32) -> (i32, i32, i32) {
    %c0_i32 = arith.constant 0 : i32
    %c0_i32_0 = arith.constant 0 : i32
    %c0_i32_1 = arith.constant 0 : i32
    return %arg0, %c0_i32, %c0_i32_0 : i32, i32, i32
  }
  func.func @transform_1(%arg0: i32) -> (i32, i32, i32) {
    %c0_i32 = arith.constant 0 : i32
    %c0_i32_0 = arith.constant 0 : i32
    %c0_i32_1 = arith.constant 0 : i32
    return %arg0, %c0_i32, %c0_i32_0 : i32, i32, i32
  }
  func.func @transform_2(%arg0: i32) -> (i32, i32, i32) {
    %c0_i32 = arith.constant 0 : i32
    %c0_i32_0 = arith.constant 0 : i32
    %c0_i32_1 = arith.constant 0 : i32
    return %arg0, %c0_i32, %c0_i32_0 : i32, i32, i32
  }
}

</mosaic_0001>

<sc_bundles>
// kernel: kernel.4.cloned.1.call-start
scs
__scs_entry_jumppad:
0x0: {  	(pc) =	sbr.rel $0x88, $3  }
0x1: {  	(tag) =	ssettag $0x0;
	lr =	simm.s32 $0x1  }
0x2: {  	[smem:$0x3F9E] =	sst lr;
	_ =	strace $0xD0000000  }
0x3: {  	_ = 	snop  }
0x4: {  	_ = 	snop  }
0x5: {  	_ = 	snop  }
0x6: {  	_ = 	snop  }
0x7: {  	_ = 	snop  }
__scs_overlays_trampoline_lowered:
0x8: {  	[smem:$0x3FAD] =	sst s0  }
0x9: {  	[smem:$0x3FAE] =	sst s1  }
0xa: {  	[smem:$0x3FAF] =	sst s2  }
0xb: {  	[smem:$0x3FB0] =	sst s3  }
0xc: {  	[smem:$0x3FB1] =	sst s4  }
0xd: {  	[smem:$0x3FB2] =	sst s5  }
0xe: {  	[smem:$0x3FB3] =	sst s6  }
0xf: {  	[smem:$0x3FB4] =	sst s7  }
0x10: {  	[smem:$0x3FB5] =	sst s8  }
0x11: {  	[smem:$0x3FB6] =	sst s9;
	s0 =	simm.s32 @!p0 $0x0  }
0x12: {  	s1 =	sld [smem:$0x3F9C];
	s0 =	simm.s32 @p0 $0x1  }
0x13: {  	[smem:$0x3FB7] =	sst s0;
	s0 =	simm.s32 @!p1 $0x0  }
0x14: {  	s2 =	sld [smem:$0x3F9B];
	s0 =	simm.s32 @p1 $0x1  }
0x15: {  	[smem:$0x3FB8] =	sst s0;
	s0 =	simm.s32 @!p2 $0x0  }
0x16: {  	s3 =	sld [smem:$0x3FDB];
	s0 =	simm.s32 @p2 $0x1  }
0x17: {  	s4 =	simm.s32 $0x1BF5;
	[smem:$0x3FBA] =	sst s0  }
0x18: {  	s0 =	sld [smem:$0x3F9D];
	_ =	swait.ge [sflag:s4], $0x0  }
0x19: {  	s7 =	sld [smem:$0x3F9E]  }
0x1a: {  	s8 =	sadd.s32 $0xFFFFE003, lr  }
0x1b: {  	s9 =	sadd.s32 $0xFFFFFEF7, lr;
	s5 =	simm.s32 $0xFFFFFFFF;
	p2 =	slt.u32 s8, $0xFFFFF086  }
0x1c: {  	p1 =	slt.u32 s9, $0xF7A;
	s5 =	simm.s32 @!p2 $0x0  }
0x1d: {  	s5 =	simm.s32 @p1 $0x1;
	p0 =	seq.s32 s7, s2  }
0x1e: {  	s7 =	smul.u32 @!p0 $0xF7A, s2;
	p2 =	seq.s32 @!p0 s5, $0x0  }
0x1f: {  	s9 =	smul.u32 $0xF7A, s1;
	s8 =	simm.s32 @!p0 $0x1BF5;
	p2 =	por !p2, p0  }
0x20: {  	[sflag:s8] =	ssyncset.s32 @!p0 $0xFFFFF086;
	s6 =	sadd.s32 @!p0 s3, s7;
	s7 =	simm.s32 @!p0 $0x108  }
0x21: {  	s3 =	sadd.s32 s3, s9;
	s6 =	sadd.s32 @!p0 $0x88, s6;
	s7 =	simm.s32 @p2 $0x1082  }
0x22: {  	[simem:s7], [sflag:s8] =	dma.local @!p0 [hbm:s6], $0xF7A  }
0x23: {  	s9 =	sor.u32 $0xD0000000, s2;
	s6 =	simm.s32 $0x108;
	_ =	swait.ge @!p0 [sflag:s8], $0x0  }
0x24: {  	s3 =	sadd.s32 $0x88, s3;
	s6 =	simm.s32 @!p1 $0x1082;
	[sflag:s4] =	ssyncset.s32 $0xFFFFF086  }
0x25: {  	[simem:s6], [sflag:s4] =	dma.local [hbm:s3], $0xF7A  }
0x26: {  	[smem:$0x3F9E] =	sst s1;
	(tag) =	ssettag s2;
	_ =	strace s9  }
0x27: {  	s1 =	sld [smem:$0x3FAE]  }
0x28: {  	s2 =	sld [smem:$0x3FAF]  }
0x29: {  	s4 =	sld [smem:$0x3FB1]  }
0x2a: {  	p0 =	seq.s32 s5, $0x0;
	s5 =	sld [smem:$0x3FB2]  }
0x2b: {  	s6 =	sld [smem:$0x3FB3]  }
0x2c: {  	s7 =	sld [smem:$0x3FB4]  }
0x2d: {  	s3 =	simm.s32 $0x108;
	s8 =	sld [smem:$0x3FB5]  }
0x2e: {  	s3 =	simm.s32 @!p0 $0x1082;
	s9 =	sld [smem:$0x3FB6]  }
0x2f: {  	lr =	sadd.s32 s0, s3;
	s0 =	sld [smem:$0x3FAD]  }
0x30: {  	s3 =	sld [smem:$0x3FB0]  }
0x31: {  	[smem:$0x3FB9] =	sst s10  }
0x32: {  	s10 =	sld [smem:$0x3FB7];
	_ =	sdelay $0x3  }
0x33: {  	p0 =	seq.s32 s10, $0x1;
	s10 =	sld [smem:$0x3FB9];
	_ =	sdelay $0x3  }
0x34: {  	[smem:$0x3FB9] =	sst s10  }
0x35: {  	s10 =	sld [smem:$0x3FB8];
	_ =	sdelay $0x3  }
0x36: {  	p1 =	seq.s32 s10, $0x1;
	s10 =	sld [smem:$0x3FB9];
	_ =	sdelay $0x3  }
0x37: {  	[smem:$0x3FB9] =	sst s10  }
0x38: {  	s10 =	sld [smem:$0x3FBA]  }
0x39: {  	_ = 	snop;
	(pc) =	sbr.ind lr, $3  }
0x3a: {  	_ = 	snop  }
0x3b: {  	_ = 	snop  }
0x3c: {  	p2 =	seq.s32 s10, $0x1;
	s10 =	sld [smem:$0x3FB9]  }
0x3d: {  	_ =	shalt  }
0x3e: {  	_ =	shalt  }
0x3f: {  	_ =	shalt  }
0x40: {  	_ =	shalt  }
0x41: {  	_ =	shalt  }
0x42: {  	_ =	shalt  }
0x43: {  	_ =	shalt  }
0x44: {  	_ =	shalt  }
0x45: {  	_ =	shalt  }
0x46: {  	_ =	shalt  }
0x47: {  	_ =	shalt  }
0x48: {  	_ =	shalt  }
0x49: {  	_ =	shalt  }
0x4a: {  	_ =	shalt  }
0x4b: {  	_ =	shalt  }
0x4c: {  	_ =	shalt  }
0x4d: {  	_ =	shalt  }
0x4e: {  	_ =	shalt  }
0x4f: {  	_ =	shalt  }
0x50: {  	_ =	shalt  }
0x51: {  	_ =	shalt  }
0x52: {  	_ =	shalt  }
0x53: {  	_ =	shalt  }
0x54: {  	_ =	shalt  }
0x55: {  	_ =	shalt  }
0x56: {  	_ =	shalt  }
0x57: {  	_ =	shalt  }
0x58: {  	_ =	shalt  }
0x59: {  	_ =	shalt  }
0x5a: {  	_ =	shalt  }
0x5b: {  	_ =	shalt  }
0x5c: {  	_ =	shalt  }
0x5d: {  	_ =	shalt  }
0x5e: {  	_ =	shalt  }
0x5f: {  	_ =	shalt  }
0x60: {  	_ =	shalt  }
0x61: {  	_ =	shalt  }
0x62: {  	_ =	shalt  }
0x63: {  	_ =	shalt  }
0x64: {  	_ =	shalt  }
0x65: {  	_ =	shalt  }
0x66: {  	_ =	shalt  }
0x67: {  	_ =	shalt  }
0x68: {  	_ =	shalt  }
0x69: {  	_ =	shalt  }
0x6a: {  	_ =	shalt  }
0x6b: {  	_ =	shalt  }
0x6c: {  	_ =	shalt  }
0x6d: {  	_ =	shalt  }
0x6e: {  	_ =	shalt  }
0x6f: {  	_ =	shalt  }
0x70: {  	_ =	shalt  }
0x71: {  	_ =	shalt  }
0x72: {  	_ =	shalt  }
0x73: {  	_ =	shalt  }
0x74: {  	_ =	shalt  }
0x75: {  	_ =	shalt  }
0x76: {  	_ =	shalt  }
0x77: {  	_ =	shalt  }
0x78: {  	_ =	shalt  }
0x79: {  	_ =	shalt  }
0x7a: {  	_ =	shalt  }
0x7b: {  	_ =	shalt  }
0x7c: {  	_ =	shalt  }
0x7d: {  	_ =	shalt  }
0x7e: {  	_ =	shalt  }
0x7f: {  	_ =	shalt  }
0x80: {  	_ =	shalt  }
0x81: {  	_ =	shalt  }
0x82: {  	_ =	shalt  }
0x83: {  	_ =	shalt  }
0x84: {  	_ =	shalt  }
0x85: {  	_ =	shalt  }
0x86: {  	_ =	shalt  }
0x87: {  	_ =	shalt  }
.Lfunc_end0:
.L_simem_size_0:
called_computation_lowered:
.L_overlay_start_0:
0x88: {  	s2 =	sld [smem:$0x3FD9]  }
0x89: {  	s3 =	sld [smem:$0x3FFE];
	_ =	sdelay $0x1  }
0x8a: {  	s1 =	srdreg.scid  }
0x8b: {  	s0 =	sand.u32 $0x1, s1  }
0x8c: {  	s17 =	sshll.u32 s0, $0xA;
	s2 =	sadd.s32 s3, s2  }
0x8d: {  	s2 =	sadd.s32 s2, s17  }
0x8e: {  	[smem:$0x3FC5] =	sst s2  }
0x8f: {  	_ = 	snop  }
0x90: {  	s2 =	sld [smem:$0x3FD0];
	(tm) =	ssettm $0x1  }
0x91: {  	s18 =	sld [smem:$0x3FFB];
	_ =	sdelay $0x3  }
0x92: {  	_ =	strace s18  }
0x93: {  	s3 =	sld [smem:$0x3FFC];
	_ =	sdelay $0x3  }
0x94: {  	_ =	strace s3  }
0x95: {  	s3 =	sld [smem:$0x3FFD];
	_ =	sdelay $0x3  }
0x96: {  	_ =	strace s3  }
0x97: {  	_ =	strace $0x8FFFFFFF  }
0x98: {  	s19 =	sld [smem:$0x3FDB];
	_ =	sdelay $0x1  }
0x99: {  	s4 =	simm.s32 $_scs_section_size  }
0x9a: {  	s5 =	simm.s32 $_size__tile_overlayer_lowered;
	s6 =	simm.s32 $_tile_overlayer_lowered  }
0x9b: {  	s22 =	simm.s32 $0x1BFF;
	s21 =	sshll.u32 s6, $0x1;
	s3 =	sadd.s32 s4, s19  }
0x9c: {  	s7 =	simm.s32 $0x0;
	s20 =	sshll.u32 s5, $0x1;
	s5 =	sadd.s32 s21, s3  }
0x9d: {  	[timem:s7], [sflag:s22] =	dma.local [hbm:s5], s20  }
0x9e: {  	_ =	swait.ge [sflag:s22], s20  }
0x9f: {  	s4 =	ssub.s32 $0x0, s20;
	[sflag:s22] =	ssyncset.done $0x0  }
0xa0: {  	[sflag:s22] =	ssyncadd.s32 s4;
	_ =	sdelay $0x1  }
0xa1: {  	s23 =	simm.s32 $0x1B8B  }
0xa2: {  	_ =	swait.ge [sflag:s23], $0x1  }
0xa3: {  	[sflag:s23] =	ssyncset.done $0x0  }
0xa4: {  	s25 =	simm.s32 $0x1B8E;
	s24 =	sld [smem:$0x3FFE];
	[sflag:s23] =	ssyncadd.s32 $0xFFFFFFFF  }
0xa5: {  	s26 =	simm.s32 $execute0_lowered;
	[smem:$0x3FD2] =	sst s25  }
0xa6: {  	s5 =	sshll.u32 s26, $0x1;
	_ =	strace $0x80000046;
	[dreg:$0x1] =	wrdreg $0xFFFFFFFF  }
0xa7: {  	s28 =	simm.s32 $_size_execute0_lowered;
	s3 =	sadd.s32 s3, s5;
	[dreg:$0x0] =	wrdreg $0x0  }
0xa8: {  	s5 =	sshll.u32 s28, $0x1;
	[dreg:$0x2] =	wrdreg s3  }
0xa9: {  	[dreg:$0x3] =	wrdreg s5  }
0xaa: {  	[dreg:$0x4] =	wrdreg $0xC0  }
0xab: {  	_ =	task [dreg:s7], $0x5FFFF  }
0xac: {  	[dreg:$0x1] =	wrdreg $0xFFFFFFFF  }
0xad: {  	[dreg:$0x0] =	wrdreg $0x60  }
0xae: {  	[dreg:$0x2] =	wrdreg s24  }
0xaf: {  	[dreg:$0x3] =	wrdreg s2  }
0xb0: {  	[dreg:$0x4] =	wrdreg $0x9  }
0xb1: {  	_ =	task.clear_ibuf [dreg:s7], $0x5FFFF;
	_ =	strace $0x90000046  }
0xb2: {  	s29 =	simm.s32 $0x9;
	_ =	strace $0x80000048  }
0xb3: {  	_ =	swait.ge [sflag:s29], $0x1  }
0xb4: {  	[sflag:s29] =	ssyncadd.s32 $0xFFFFFFFF  }
0xb5: {  	_ =	strace $0x90000048  }
0xb6: {  	_ =	sfence  }
0xb7: {  	s30 =	sld [smem:$0x0];
	_ =	sdelay $0x2  }
0xb8: {  	s31 =	sshll.u32 s1, $0xD;
	s1 =	sshrl.u32 s1, $0x2  }
0xb9: {  	s3 =	sand.u32 $0x4000, s31;
	s1 =	sadd.s32 s1, s30  }
0xba: {  	s0 =	sor.u32 s3, s0;
	s1 =	sshll.u32 s1, $0x11  }
0xbb: {  	s0 =	sor.u32 s1, s0  }
0xbc: {  	s0 =	sadd.s32 $0x8F2B, s0  }
0xbd: {  	[sflag:s0] =	ssyncadd.remote.s32 $0x1  }
0xbe: {  	_ =	sfence.sel $0xFFFF  }
0xbf: {  	[dreg:$0x0] =	wrdreg $0xFFFFFFFF;
	(pc) =	sbr.abs _section_cstart, $3  }
0xc0: {  	[dreg:$0x1] =	wrdreg $0xFFFFFFFF  }
0xc1: {  	_ =	task.clear_ibuf [dreg:s7], $0x2FFFF;
	_ =	strace $0x9FFFFFFF  }
0xc2: {  	(tm) =	ssettm $0x7FFFFFFF  }
0xc3: {  	_ =	shalt  }
tec
execute0_lowered:
.L_overlay_start_1:
0x0: {  	(tag) =	ssettag $0x1  }
0x1: {  	s3 =	rddreg [dreg:$0x0]  }
0x2: {  	s7 =	rddreg [dreg:$0x1];
	s2 =	srdreg.scid  }
0x3: {  	s0 =	rddreg [dreg:$0x2];
	s1 =	stileid.u32  }
0x4: {  	s11 =	simm.s32 $0x80;
	s12 =	simm.s32 $0x800;
	s13 =	simm.s32 $0x2C00  }
0x5: {  	s14 =	simm.s32 $0x1680;
	s15 =	simm.s32 $0x0;
	s4 =	sand.u32 $0x1, s2  }
0x6: {  	s5 =	sshll.u32 s1, $0x8;
	s8 =	sshrl.u32 s1, $0x2;
	s2 =	simm.s32 $0x0  }
0x7: {  	s6 =	sshll.u32 s4, $0x7;
	s31 =	smul.u32 $0x7400, s8;
	[smem:$0x7FF] =	sst s2  }
0x8: {  	s4 =	ssub.s32 $0x2, s4;
	s8 =	smul.u32 $0xAC00, s8;
	s5 =	sor.u32 s6, s5  }
0x9: {  	_ =	strace $0x80000047;
	s10 =	sshrl.u32 s4, $0x1;
	s9 =	sand.u32 $0x380, s5  }
0xa: {  	s5 =	sadd.s32 s5, s3;
	s10 =	ssub.s32 s4, s10;
	s6 =	sor.u32 s31, s9  }
0xb: {  	s4 =	sadd.s32 $0xE00, s5;
	s8 =	sor.u32 s8, s9;
	s5 =	sadd.s32 $0x1E00, s5  }
0xc: {  	s9 =	simm.s32 $0x1;
	s6 =	sshrl.u32 s6, $0x3;
	s8 =	sshrl.u32 s8, $0x3  }
0xd: {  	s6 =	sadd.s32 s6, s3;
	s3 =	sadd.s32 $0x6800, s3;
	s7 =	sadd.s32 s7, s8  }
0xe: {  	v0 =	vlaneseq.u32;
	s8 =	smax.u32 s10, $0x1;
	s10 =	simm.s32 $0x400;
	s6 =	sadd.s32 $0x2E00, s6  }
.LBB2_1:
0xf: {  	[tilespmem:s2], [sflag:$0x1] =	stream.linear.gather [hbm4b:s4+s2], $0x384, $0x38;
	[tilespmem:$0x2C80] =	vst v63  }
0x10: {  	_ =	swait.ge [sflag:s9], $0x384  }
0x11: {  	[sflag:s9] =	ssyncset.done $0x0  }
0x12: {  	[sflag:s9] =	ssyncadd.s32 $0xFFFFFC7C  }
0x13: {  	[tilespmem:s10], [sflag:$0x1] =	stream.linear.gather [hbm4b:s5+s2], $0x384, $0x38;
	[tilespmem:$0x2C80] =	vst v63  }
0x14: {  	_ =	swait.ge [sflag:s9], $0x384  }
0x15: {  	[sflag:s9] =	ssyncset.done $0x0  }
0x16: {  	[sflag:s9] =	ssyncadd.s32 $0xFFFFFC7C  }
0x17: {  	[tilespmem:s12], [sflag:$0x1] =	stream.strided.gather [hbm4b:s6+s11], $0xE80, s10, s11, $0x38;
	[tilespmem:$0x2C80] =	vst v63  }
0x18: {  	v1 =	vor.u32 s2, v0;
	_ =	swait.ge [sflag:s9], $0xE80  }
0x19: {  	vm0 =	vlt.s32 v1, $0x383;
	[sflag:s9] =	ssyncset.done $0x0  }
0x1a: {  	v2 =	vnsel vm0, $0x383, v1;
	[sflag:s9] =	ssyncadd.s32 $0xFFFFF180  }
0x1b: {  	[tilespmem:s13], [sflag:$0x1] =	stream.linear.gather [hbm4b:s3+s2], $0x80, $0x38;
	[tilespmem:$0x2C80] =	vst v63  }
0x1c: {  	_ =	swait.ge [sflag:s9], $0x80  }
0x1d: {  	[sflag:s9] =	ssyncset.done $0x0  }
0x1e: {  	[sflag:s9] =	ssyncadd.s32 $0xFFFFFF80  }
0x1f: {  	v1 =	vld.idx.msk [tilespmem:v2+s2+$0x0], $0xffff;
	_ =	sdelay $0x4  }
0x20: {  	v1 =	vsub.f32 $0.0e+00, v1;
	_ =	sdelay $0x1  }
0x21: {  	v1 =	vmul.f32 $1.442695020e+00, v1;
	_ =	sdelay $0x1  }
0x22: {  	(erf) = vpow2.f32 v1;
	_ =	sdelay $0x6  }
0x23: {  	v3 =	vshll.u32 v2, $0x2  }
0x24: {  	v4 =	vor.u32 $0x2, v3  }
0x25: {  	v5 =	vor.u32 $0x3, v3;
	v1 =	vpop (erf)  }
0x26: {  	v1 =	vadd.f32 $1.000000000e+00, v1  }
0x27: {  	v6 =	vor.u32 $0x1, v3  }
0x28: {  	(erf) = vrcp.f32 v1  }
0x29: {  	v4 =	vld.idx.msk [tilespmem:v4+s12+$0x0], $0xffff  }
0x2a: {  	v5 =	vld.idx.msk [tilespmem:v5+s12+$0x0], $0xffff  }
0x2b: {  	v3 =	vld.idx.msk [tilespmem:v3+s12+$0x0], $0xffff  }
0x2c: {  	v6 =	vld.idx.msk [tilespmem:v6+s12+$0x0], $0xffff  }
0x2d: {  	v7 =	vld.idx.msk [tilespmem:v2+s10+$0x0], $0xffff  }
0x2e: {  	v8 =	vmul.u32 $0x6, v2;
	v1 =	vld [tilespmem:$0x2C00]  }
0x2f: {  	s16 =	simm.s32 $0x10;
	v2 =	vld [tilespmem:$0x2C10];
	v9 =	vmul.f32 $5.000000000e-01, v4  }
0x30: {  	v14 =	vor.u32 s16, v0;
	v11 =	vor.u32 $0x1, v8;
	v10 =	vmul.f32 $5.000000000e-01, v5  }
0x31: {  	vm1 =	vlt.s32 v14, $0x383;
	v3 =	vsub.f32 v3, v9;
	v9 =	vadd.s32 $0x2, v8;
	v13 =	vpop (erf)  }
0x32: {  	v6 =	vsub.f32 v6, v10;
	v10 =	vadd.s32 $0x3, v8;
	vm15 =	vge.f32 v13, $5.000000000e-01  }
0x33: {  	v12 =	vadd.s32 $0x4, v8;
	v15 =	vmul.f32 v3, v1;
	v3 =	vnsel vm15, $0x0, v7  }
0x34: {  	v6 =	vmul.f32 v6, v2;
	v7 =	vnsel vm15, $0x0, v13;
	[tilespmem:v8+s14+$0x0] =	vst.idx.msk $0xffff, v3;
	v8 =	vadd.s32 $0x5, v8  }
0x35: {  	v63 =	vmul.f32 v4, v1;
	v3 =	vnsel vm1, $0x383, v14;
	[tilespmem:v11+s14+$0x0] =	vst.idx.msk $0xffff, v7;
	v7 =	vnsel vm15, $0x0, v15  }
0x36: {  	v6 =	vnsel vm15, $0x0, v6;
	v4 =	vshll.u32 v3, $0x2;
	v11 =	vmul.f32 v5, v2;
	[tilespmem:v9+s14+$0x0] =	vst.idx.msk $0xffff, v7  }
0x37: {  	v5 =	vor.u32 $0x2, v4;
	v9 =	vnsel vm15, $0x0, v63;
	[tilespmem:v10+s14+$0x0] =	vst.idx.msk $0xffff, v6  }
0x38: {  	s16 =	simm.s32 $0x20;
	v7 =	vor.u32 $0x3, v4;
	v6 =	vor.u32 $0x1, v4;
	[tilespmem:v12+s14+$0x0] =	vst.idx.msk $0xffff, v9;
	v9 =	vnsel vm15, $0x0, v11  }
.LBB2_2:
0x39: {  	p0 =	sne.s32 s16, $0x380;
	[tilespmem:v8+s14+$0x0] =	vst.idx.msk $0xffff, v9;
	s17 =	smov.u32 s16;
	s16 =	sadd.s32 $0x10, s16  }
0x3a: {  	v8 =	vld.idx.msk [tilespmem:v3+s2+$0x0], $0xffff;
	_ =	sdelay $0x5  }
0x3b: {  	v8 =	vsub.f32 $0.0e+00, v8;
	_ =	sdelay $0x1  }
0x3c: {  	v8 =	vmul.f32 $1.442695020e+00, v8;
	_ =	sdelay $0x1  }
0x3d: {  	(erf) = vpow2.f32 v8;
	_ =	sdelay $0x8  }
0x3e: {  	v8 =	vpop (erf)  }
0x3f: {  	v8 =	vadd.f32 $1.000000000e+00, v8;
	_ =	sdelay $0x1  }
0x40: {  	(erf) = vrcp.f32 v8  }
0x41: {  	v5 =	vld.idx.msk [tilespmem:v5+s12+$0x0], $0xffff  }
0x42: {  	v7 =	vld.idx.msk [tilespmem:v7+s12+$0x0], $0xffff  }
0x43: {  	v4 =	vld.idx.msk [tilespmem:v4+s12+$0x0], $0xffff  }
0x44: {  	v6 =	vld.idx.msk [tilespmem:v6+s12+$0x0], $0xffff  }
0x45: {  	v9 =	vld.idx.msk [tilespmem:v3+s10+$0x0], $0xffff  }
0x46: {  	v3 =	vmul.u32 $0x6, v3  }
0x47: {  	v10 =	vmul.f32 $5.000000000e-01, v5  }
0x48: {  	v11 =	vmul.f32 $5.000000000e-01, v7;
	v12 =	vor.u32 $0x1, v3;
	v8 =	vadd.s32 $0x5, v3  }
0x49: {  	v13 =	vadd.s32 $0x4, v3;
	v4 =	vsub.f32 v4, v10;
	v10 =	vadd.s32 $0x2, v3;
	v14 =	vpop (erf)  }
0x4a: {  	v6 =	vsub.f32 v6, v11;
	v11 =	vadd.s32 $0x3, v3;
	vm0 =	vge.f32 v14, $5.000000000e-01  }
0x4b: {  	v15 =	vor.u32 s17, v0;
	v4 =	vmul.f32 v4, v1;
	v9 =	vnsel vm0, $0x0, v9  }
.Ltmp0:
0x4c: {  	vm1 =	vlt.s32 v15, $0x383;
	v6 =	vmul.f32 v6, v2;
	[tilespmem:v3+s14+$0x0] =	vst.idx.msk $0xffff, v9;
	v9 =	vnsel vm0, $0x0, v14;
	(pc) =	sbr.rel @p0 .LBB2_2-.Ltmp0, $4  }
0x4d: {  	v3 =	vnsel vm1, $0x383, v15;
	v14 =	vmul.f32 v5, v1;
	v5 =	vnsel vm0, $0x0, v4;
	[tilespmem:v12+s14+$0x0] =	vst.idx.msk $0xffff, v9  }
0x4e: {  	v4 =	vshll.u32 v3, $0x2;
	v9 =	vmul.f32 v7, v2;
	v6 =	vnsel vm0, $0x0, v6;
	[tilespmem:v10+s14+$0x0] =	vst.idx.msk $0xffff, v5  }
0x4f: {  	v5 =	vor.u32 $0x2, v4;
	v7 =	vor.u32 $0x3, v4;
	v10 =	vnsel vm0, $0x0, v14;
	[tilespmem:v11+s14+$0x0] =	vst.idx.msk $0xffff, v6  }
0x50: {  	v6 =	vor.u32 $0x1, v4;
	v9 =	vnsel vm0, $0x0, v9;
	[tilespmem:v13+s14+$0x0] =	vst.idx.msk $0xffff, v10  }
0x51: {  	_ =	sdelay $0x3  }
0x52: {  	[tilespmem:v8+s14+$0x0] =	vst.idx.msk $0xffff, v9  }
0x53: {  	v8 =	vld.idx.msk [tilespmem:v3+s2+$0x0], $0xffff;
	_ =	sdelay $0x4  }
0x54: {  	v8 =	vsub.f32 $0.0e+00, v8;
	_ =	sdelay $0x1  }
0x55: {  	v8 =	vmul.f32 $1.442695020e+00, v8;
	_ =	sdelay $0x1  }
0x56: {  	(erf) = vpow2.f32 v8;
	_ =	sdelay $0x8  }
0x57: {  	v8 =	vpop (erf)  }
0x58: {  	v8 =	vadd.f32 $1.000000000e+00, v8;
	_ =	sdelay $0x1  }
0x59: {  	(erf) = vrcp.f32 v8;
	_ =	sdelay $0x1  }
0x5a: {  	v5 =	vld.idx.msk [tilespmem:v5+s12+$0x0], $0xffff  }
0x5b: {  	v7 =	vld.idx.msk [tilespmem:v7+s12+$0x0], $0xffff  }
0x5c: {  	v4 =	vld.idx.msk [tilespmem:v4+s12+$0x0], $0xffff  }
0x5d: {  	v6 =	vld.idx.msk [tilespmem:v6+s12+$0x0], $0xffff  }
0x5e: {  	v60 =	vld.idx.msk [tilespmem:v3+s10+$0x0], $0xffff;
	v3 =	vmul.u32 $0x6, v3  }
0x5f: {  	v61 =	vmul.f32 $5.000000000e-01, v5  }
0x60: {  	v11 =	vor.u32 $0x1, v3;
	v10 =	vmul.f32 $5.000000000e-01, v7  }
0x61: {  	v62 =	vadd.s32 $0x2, v3;
	v4 =	vsub.f32 v4, v61;
	v12 =	vpop (erf)  }
0x62: {  	v63 =	vadd.s32 $0x3, v3;
	v6 =	vsub.f32 v6, v10;
	vm0 =	vge.f32 v12, $5.000000000e-01  }
0x63: {  	v13 =	vadd.s32 $0x4, v3;
	v4 =	vmul.f32 v4, v1;
	v8 =	vnsel vm0, $0x0, v60  }
0x64: {  	v14 =	vadd.s32 $0x5, v3;
	v6 =	vmul.f32 v6, v2;
	[tilespmem:v3+s14+$0x0] =	vst.idx.msk $0xffff, v8;
	v3 =	vnsel vm0, $0x0, v12  }
0x65: {  	v1 =	vmul.f32 v5, v1;
	[tilespmem:v11+s14+$0x0] =	vst.idx.msk $0xffff, v3;
	v3 =	vnsel vm0, $0x0, v4  }
0x66: {  	v2 =	vmul.f32 v7, v2;
	[tilespmem:v62+s14+$0x0] =	vst.idx.msk $0xffff, v3;
	v3 =	vnsel vm0, $0x0, v6  }
0x67: {  	s15 =	sadd.s32 $0x1, s15;
	v1 =	vnsel vm0, $0x0, v1;
	[tilespmem:v63+s14+$0x0] =	vst.idx.msk $0xffff, v3  }
0x68: {  	p0 =	sne.s32 s15, s8;
	[tilespmem:v13+s14+$0x0] =	vst.idx.msk $0xffff, v1;
	v1 =	vnsel vm0, $0x0, v2  }
.Ltmp1:
0x69: {  	[tilespmem:v14+s14+$0x0] =	vst.idx.msk $0xffff, v1;
	(pc) =	sbr.rel @p0 .LBB2_1-.Ltmp1, $4  }
0x6a: {  	[hbm4b:s7+s11] =	stream.strided.scatter [tilespmem:s14], [sflag:$0x1], $0x1580, s10, s11, $0x38;
	[tilespmem:$0x2C80] =	vst v63  }
0x6b: {  	_ =	swait.ge [sflag:s9], $0x1580  }
0x6c: {  	[sflag:s9] =	ssyncset.done $0x0  }
0x6d: {  	[sflag:s9] =	ssyncadd.s32 $0xFFFFEA80  }
0x6e: {  	_ =	sfence.sel $0x180000  }
0x6f: {  	[bflag:$0x0] =	sbarrier.arrive $0xFFFF  }
0x70: {  	p0 =	sne.s32 s1, $0x0;
	_ =	strace $0x90000047  }
0x71: {  	s0 =	sadd.s32 @!p0 $0x100000, s0;
	[bflag:$0x2] =	sbarrier.arrive $0xFFFF  }
0x72: {  	[sflag:s0] =	ssyncadd.tile.s32 @!p0 $0x1;
	_ =	shalt  }
.Lfunc_end2:
_tile_overlayer_lowered:
.L_overlay_start_2:
0x73: {  	(tag) =	ssettag $0x2  }
0x74: {  	s0 =	rddreg [dreg:$0x0];
	s2 =	stileid.u32  }
0x75: {  	s1 =	rddreg [dreg:$0x1];
	p0 =	sne.s32 s2, $0x0  }
0x76: {  	s3 =	rddreg [dreg:$0x2];
	[bflag:$0x3] =	sbarrier.arrive $0xFFFF;
	s2 =	simm.s32 @!p0 $0x1C01  }
0x77: {  	[timem:s3], [sflag:s2] =	dma.local @!p0 [hbm:s0], s1  }
0x78: {  	s0 =	simm.s32 @!p0 $0x1  }
0x79: {  	_ =	swait.ge @!p0 [sflag:s0], s1  }
0x7a: {  	s1 =	ssub.s32 @!p0 $0x0, s1;
	[sflag:s0] =	ssyncset.done @!p0 $0x0  }
0x7b: {  	[sflag:s0] =	ssyncadd.s32 @!p0 s1  }
0x7c: {  	[bflag:$0x3] =	sbarrier.arrive $0xFFFF  }
0x7d: {  	_ =	shalt  }

</sc_bundles>
